<compile_context>
chip_gen: v7x
topology: tpu7x:2x2x1
jax: 0.10.2.dev20260603
libtpu: 0.0.44.dev20260713+nightly
codegen_flags: <defaults>
</compile_context>

<pallas_src>
import functools

import jax
import jax.numpy as jnp
from jax import lax
from jax.experimental import pallas as pl
from jax.experimental.pallas import tpu as pltpu
from jax.experimental.pallas import tpu_sc as plsc

D_MODEL = 768
D_HIDDEN = 2048
NUM_EXPERTS = 64
N_TOK = 2048
TILE = 128
P_TILES = 80
PADDED = P_TILES * TILE

SC_CORES = 2
SC_SUBCORES = 16
SC_WORKERS = SC_CORES * SC_SUBCORES
TOK_PER_W = N_TOK // SC_WORKERS


def _router_body(x_ref, w_ref, b_ref, slot_ref, prob_ref, te_ref, tv_ref,
                 ym_ref, loss_ref):
    xf = x_ref[...]
    logits = jnp.dot(xf, w_ref[...], preferred_element_type=jnp.float32)
    logits = logits + b_ref[...]
    m = jnp.max(logits, axis=1, keepdims=True)
    ex = jnp.exp(logits - m)
    s = jnp.sum(ex, axis=1, keepdims=True)
    probs = ex / s

    pm = jnp.sum(probs, axis=0, keepdims=True) * (1.0 / N_TOK)
    loss_ref[...] = jnp.sum(pm * pm, axis=1, keepdims=True) * NUM_EXPERTS

    iota_e = lax.broadcasted_iota(jnp.int32, (N_TOK, NUM_EXPERTS), 1)
    idx = jnp.min(jnp.where(logits == m, iota_e, NUM_EXPERTS),
                  axis=1, keepdims=True)
    onehot = (iota_e == idx).astype(jnp.float32)

    counts = jnp.sum(onehot, axis=0, keepdims=True)
    tiles_per = jnp.ceil(counts * (1.0 / TILE))
    tri = (lax.broadcasted_iota(jnp.int32, (NUM_EXPERTS, NUM_EXPERTS), 0)
           <= lax.broadcasted_iota(jnp.int32, (NUM_EXPERTS, NUM_EXPERTS), 1)
           ).astype(jnp.float32)
    end = jnp.dot(tiles_per, tri, preferred_element_type=jnp.float32)
    start = end - tiles_per

    lower = (lax.broadcasted_iota(jnp.int32, (N_TOK, N_TOK), 1)
             < lax.broadcasted_iota(jnp.int32, (N_TOK, N_TOK), 0)
             ).astype(jnp.bfloat16)
    ranks = jnp.dot(lower, onehot.astype(jnp.bfloat16),
                    preferred_element_type=jnp.float32)
    rank_t = jnp.sum(ranks * onehot, axis=1, keepdims=True)
    start_t = jnp.sum(onehot * start, axis=1, keepdims=True)
    slot_ref[...] = (start_t * TILE + rank_t).astype(jnp.int32)
    prob_ref[...] = 1.0 / s

    end_i = end.astype(jnp.int32)
    total2d = jnp.sum(tiles_per, axis=1, keepdims=True)
    total_i = total2d.astype(jnp.int32)
    pcol = lax.broadcasted_iota(jnp.int32, (P_TILES, NUM_EXPERTS), 0)
    pclamp = jnp.minimum(pcol, total_i - 1)
    te = jnp.sum((end_i <= pclamp).astype(jnp.int32), axis=1, keepdims=True)
    te_ref[...] = jnp.minimum(te, NUM_EXPERTS - 1)
    prow = lax.broadcasted_iota(jnp.int32, (P_TILES, 1), 0)
    ym_ref[...] = jnp.minimum(prow, total_i - 1)
    tv_ref[...] = (prow < total_i).astype(jnp.int32)


def _router(x_flat, router_W, router_b):
    return pl.pallas_call(
        _router_body,
        out_shape=(
            jax.ShapeDtypeStruct((N_TOK, 1), jnp.int32),
            jax.ShapeDtypeStruct((N_TOK, 1), jnp.float32),
            jax.ShapeDtypeStruct((P_TILES, 1), jnp.int32),
            jax.ShapeDtypeStruct((P_TILES, 1), jnp.int32),
            jax.ShapeDtypeStruct((P_TILES, 1), jnp.int32),
            jax.ShapeDtypeStruct((1, 1), jnp.float32),
        ),
        compiler_params=pltpu.CompilerParams(
            vmem_limit_bytes=100 * 1024 * 1024),
    )(x_flat, router_W, router_b.reshape(1, NUM_EXPERTS))


@functools.lru_cache(maxsize=None)
def _sc_kernels():
    mesh = plsc.VectorSubcoreMesh(core_axis_name="c", subcore_axis_name="s",
                                  num_cores=SC_CORES,
                                  num_subcores=SC_SUBCORES)

    @functools.partial(
        pl.kernel,
        mesh=mesh,
        out_type=(
            jax.ShapeDtypeStruct((PADDED, D_MODEL), jnp.float32),
            jax.ShapeDtypeStruct((PADDED,), jnp.float32),
        ),
        scratch_types=[
            pltpu.VMEM((TOK_PER_W,), jnp.int32),
            pltpu.VMEM((TOK_PER_W, D_MODEL), jnp.float32),
            pltpu.VMEM((N_TOK,), jnp.int32),
            pltpu.VMEM((N_TOK,), jnp.float32),
            pltpu.VMEM((PADDED,), jnp.float32),
            pltpu.SemaphoreType.DMA,
            pltpu.SemaphoreType.DMA,
        ],
        compiler_params=pltpu.CompilerParams(needs_layout_passes=False),
    )
    def _dispatch(x_hbm, slot_hbm, prob_hbm, xs_hbm, pr_hbm,
                  slot_v, x_v, slots_all, prob_all, pr_v, sem, sem2):
        wid = lax.axis_index("s") * SC_CORES + lax.axis_index("c")
        base = wid * TOK_PER_W
        pltpu.sync_copy(slot_hbm.at[pl.ds(base, TOK_PER_W)], slot_v)
        pltpu.sync_copy(x_hbm.at[pl.ds(base, TOK_PER_W)], x_v)
        scat = pltpu.async_copy(x_v, xs_hbm.at[slot_v], sem)

        @pl.when(wid == 0)
        def _():
            pltpu.sync_copy(slot_hbm, slots_all)
            pltpu.sync_copy(prob_hbm, prob_all)

            def scat_body(i, carry):
                sl = slots_all[pl.ds(i * 16, 16)]
                pv = prob_all[pl.ds(i * 16, 16)]
                plsc.store_scatter(pr_v, [sl], pv)
                return carry

            lax.fori_loop(0, N_TOK // 16, scat_body, 0)
            pltpu.async_copy(pr_v, pr_hbm, sem2).wait()

        scat.wait()

    HALF = TOK_PER_W // 2

    @functools.partial(
        pl.kernel,
        mesh=mesh,
        out_type=jax.ShapeDtypeStruct((N_TOK, D_MODEL), jnp.float32),
        scratch_types=[
            pltpu.VMEM((HALF,), jnp.int32),
            pltpu.VMEM((HALF,), jnp.int32),
            pltpu.VMEM((HALF, D_MODEL), jnp.float32),
            pltpu.VMEM((HALF, D_MODEL), jnp.float32),
            pltpu.SemaphoreType.DMA,
            pltpu.SemaphoreType.DMA,
            pltpu.SemaphoreType.DMA,
        ],
    )
    def _combine(y_hbm, slot_hbm, out_hbm, idx0, idx1, y0, y1, g_sem, s0_sem,
                 s1_sem):
        wid = lax.axis_index("s") * SC_CORES + lax.axis_index("c")
        base = wid * TOK_PER_W
        pltpu.sync_copy(slot_hbm.at[pl.ds(base, HALF)], idx0)
        pltpu.sync_copy(slot_hbm.at[pl.ds(base + HALF, HALF)], idx1)
        pltpu.async_copy(y_hbm.at[idx0], y0, g_sem).wait()
        st0 = pltpu.async_copy(y0, out_hbm.at[pl.ds(base, HALF)], s0_sem)
        pltpu.async_copy(y_hbm.at[idx1], y1, g_sem).wait()
        st1 = pltpu.async_copy(y1, out_hbm.at[pl.ds(base + HALF, HALF)],
                               s1_sem)
        st0.wait()
        st1.wait()

    return _dispatch, _combine


def _ffn_body(te_ref, tv_ref, ym_ref, x_ref, w1_ref, b1_ref, w2_ref, b2_ref,
              wo_ref, ob_ref, p_ref, y_ref):
    @pl.when(tv_ref[pl.program_id(0)] == 1)
    def _():
        xb = x_ref[...]
        h1 = jnp.dot(xb, w1_ref[0], preferred_element_type=jnp.float32)
        h1 = h1 + b1_ref[0]
        h2 = jnp.dot(xb, w2_ref[0], preferred_element_type=jnp.float32)
        h2 = h2 + b2_ref[0]
        h = h1 * (h2 * jax.nn.sigmoid(h2))
        eo = jnp.dot(h, wo_ref[0], preferred_element_type=jnp.float32)
        eo = eo + ob_ref[0]
        y_ref[...] = eo * p_ref[...]


def _ffn(tile_expert, tile_valid, tile_ymap, x_sorted, w1_W, w1_b, w2_W, w2_b,
         out_W, out_b, prob2d):
    grid_spec = pltpu.PrefetchScalarGridSpec(
        num_scalar_prefetch=3,
        grid=(P_TILES,),
        in_specs=[
            pl.BlockSpec((TILE, D_MODEL), lambda i, te, tv, ym: (ym[i], 0)),
            pl.BlockSpec((1, D_MODEL, D_HIDDEN),
                         lambda i, te, tv, ym: (te[i], 0, 0)),
            pl.BlockSpec((1, 1, D_HIDDEN),
                         lambda i, te, tv, ym: (te[i], 0, 0)),
            pl.BlockSpec((1, D_MODEL, D_HIDDEN),
                         lambda i, te, tv, ym: (te[i], 0, 0)),
            pl.BlockSpec((1, 1, D_HIDDEN),
                         lambda i, te, tv, ym: (te[i], 0, 0)),
            pl.BlockSpec((1, D_HIDDEN, D_MODEL),
                         lambda i, te, tv, ym: (te[i], 0, 0)),
            pl.BlockSpec((1, 1, D_MODEL),
                         lambda i, te, tv, ym: (te[i], 0, 0)),
            pl.BlockSpec((TILE, 1), lambda i, te, tv, ym: (ym[i], 0)),
        ],
        out_specs=pl.BlockSpec((TILE, D_MODEL),
                               lambda i, te, tv, ym: (ym[i], 0)),
    )
    return pl.pallas_call(
        _ffn_body,
        grid_spec=grid_spec,
        out_shape=jax.ShapeDtypeStruct((PADDED, D_MODEL), jnp.float32),
        compiler_params=pltpu.CompilerParams(
            vmem_limit_bytes=100 * 1024 * 1024),
    )(tile_expert, tile_valid, tile_ymap, x_sorted,
      w1_W, w1_b.reshape(NUM_EXPERTS, 1, D_HIDDEN),
      w2_W, w2_b.reshape(NUM_EXPERTS, 1, D_HIDDEN),
      out_W, out_b.reshape(NUM_EXPERTS, 1, D_MODEL), prob2d)


def kernel(x, router_W, router_b, w1_W, w1_b, w2_W, w2_b, out_W, out_b):
    B, S, D = x.shape
    x_flat = x.reshape(-1, D)
    slot2d, prob2d, te2d, tv2d, ym2d, loss2d = _router(x_flat, router_W,
                                                       router_b)
    slot = slot2d.reshape(-1)
    prob = prob2d.reshape(-1)
    tile_expert = te2d.reshape(-1)
    tile_valid = tv2d.reshape(-1)
    tile_ymap = ym2d.reshape(-1)
    _dispatch, _combine = _sc_kernels()
    x_sorted, prob_sorted = _dispatch(x_flat, slot, prob)
    y = _ffn(tile_expert, tile_valid, tile_ymap, x_sorted, w1_W, w1_b, w2_W,
             w2_b, out_W, out_b, prob_sorted.reshape(PADDED, 1))
    outp = _combine(y, slot)
    final = outp.reshape(B, S, D)
    return final, loss2d[0, 0]

# --- scband reference (transcript-rebuilt; emitter-appended) ---
"""Pipeline reference for scband-sparse-moe-50646254354974 (READ-ONLY COPY).

The authoritative reference and input builder live on the scoring server;
editing this copy changes nothing except your own understanding.
"""

import jax, jax.numpy as jnp
import numpy as np

D_MODEL = 768
D_HIDDEN = 2048
NUM_EXPERTS = 64
TOP_K = 1
BATCH = 1
SEQ = 2048


def setup_inputs(seed: int = 0) -> dict:
    key = jax.random.key(seed)
    ks = jax.random.split(key, 10)
    scale = 0.02
    x = jax.random.normal(ks[0], (BATCH, SEQ, D_MODEL), dtype=jnp.float32)
    router_W = jax.random.normal(ks[1], (D_MODEL, NUM_EXPERTS), dtype=jnp.float32) * scale
    router_b = jnp.zeros((NUM_EXPERTS,), dtype=jnp.float32)
    w1_W = jax.random.normal(ks[2], (NUM_EXPERTS, D_MODEL, D_HIDDEN), dtype=jnp.float32) * scale
    w1_b = jnp.zeros((NUM_EXPERTS, D_HIDDEN), dtype=jnp.float32)
    w2_W = jax.random.normal(ks[3], (NUM_EXPERTS, D_MODEL, D_HIDDEN), dtype=jnp.float32) * scale
    w2_b = jnp.zeros((NUM_EXPERTS, D_HIDDEN), dtype=jnp.float32)
    out_W = jax.random.normal(ks[4], (NUM_EXPERTS, D_HIDDEN, D_MODEL), dtype=jnp.float32) * scale
    out_b = jnp.zeros((NUM_EXPERTS, D_MODEL), dtype=jnp.float32)
    return {"x": x, "router_W": router_W, "router_b": router_b,
            "w1_W": w1_W, "w1_b": w1_b, "w2_W": w2_W, "w2_b": w2_b,
            "out_W": out_W, "out_b": out_b}


def reference(x, router_W, router_b, w1_W, w1_b, w2_W, w2_b, out_W, out_b):
    B, S, D = x.shape
    x_flat = x.reshape(-1, D)
    router_logits = x_flat @ router_W + router_b
    router_probs = jax.nn.softmax(router_logits, axis=-1)
    topk_probs, topk_indices = jax.lax.top_k(router_probs, TOP_K)
    final_output = jnp.zeros_like(x_flat)
    for i in range(TOP_K):
        outputs = jnp.zeros_like(x_flat)
        for e in range(NUM_EXPERTS):
            mask = topk_indices[:, i] == e
            h = (x_flat @ w1_W[e] + w1_b[e]) * jax.nn.silu(x_flat @ w2_W[e] + w2_b[e])
            eo = h @ out_W[e] + out_b[e]
            outputs = jnp.where(mask[:, None], eo, outputs)
        final_output = final_output + topk_probs[:, i][:, None] * outputs
    final_output = final_output.reshape(B, S, D)
    router_probs_mean = router_probs.mean(axis=0)
    load_balancing_loss = (router_probs_mean * router_probs_mean).sum() * NUM_EXPERTS
    return final_output, load_balancing_loss

if __name__ == "__main__":
    import jax
    _d = setup_inputs()
    print(jax.jit(kernel)(*tuple(_d.values())))

</pallas_src>

<mosaic_0001>
#map = affine_map<(d0, d1) -> (0, 0)>
#map1 = affine_map<(d0, d1) -> (0)>
module attributes {stable_mosaic.version = 14 : i64} {
  func.func @_dispatch(%arg0: i32, %arg1: i32, %arg2: memref<2048x768xf32, #tpu.memory_space<hbm>>, %arg3: memref<2048xi32, #tpu.memory_space<hbm>>, %arg4: memref<2048xf32, #tpu.memory_space<hbm>>, %arg5: memref<10240x768xf32, #tpu.memory_space<hbm>>, %arg6: memref<10240xf32, #tpu.memory_space<hbm>>, %arg7: memref<64xi32, #tpu.memory_space<vmem>>, %arg8: memref<64x768xf32, #tpu.memory_space<vmem>>, %arg9: memref<2048xi32, #tpu.memory_space<vmem>>, %arg10: memref<2048xf32, #tpu.memory_space<vmem>>, %arg11: memref<10240xf32, #tpu.memory_space<vmem>>, %arg12: memref<!tpu.dma_semaphore, #tpu.memory_space<semaphore_mem>>, %arg13: memref<!tpu.dma_semaphore, #tpu.memory_space<semaphore_mem>>) attributes {dimension_semantics = [#tpu.dimension_semantics<core_parallel>, #tpu.dimension_semantics<subcore_parallel>], iteration_bounds = array<i64: 2, 16>, scalar_prefetch = 0 : i64, scratch_operands = 7 : i64, tpu.core_type = #tpu.core_type<sc_vector_subcore>, window_params = [{transform_indices = #map}, {transform_indices = #map1}, {transform_indices = #map1}, {transform_indices = #map}, {transform_indices = #map1}]} {
    %mul3A = arith.constant 2 : i32
    %mul3A_0 = arith.muli %arg1, %mul3A : i32
    %add3A = arith.addi %mul3A_0, %arg0 : i32
    %mul3A_1 = arith.constant 64 : i32
    %mul3A_2 = arith.muli %add3A, %mul3A_1 : i32
    "tpu.region"() ({
      %run_scoped3A = tpu.sem_alloc : memref<!tpu.dma_semaphore, #tpu.memory_space<semaphore_mem>>
      %dma_start3A_9 = tpu.memref_slice %arg3[%mul3A_2] : memref<2048xi32, #tpu.memory_space<hbm>> -> memref<64xi32, #tpu.memory_space<hbm>>
      %dma_start3A_10 = tpu.memref_slice %arg3[%mul3A_2] : memref<2048xi32, #tpu.memory_space<hbm>> -> memref<64xi32, #tpu.memory_space<hbm>>
      tpu.enqueue_dma source(%dma_start3A_10 : memref<64xi32, #tpu.memory_space<hbm>>) target(%arg7 : memref<64xi32, #tpu.memory_space<vmem>>) target_semaphore(%run_scoped3A : memref<!tpu.dma_semaphore, #tpu.memory_space<semaphore_mem>>)
      %dma_wait3A_11 = tpu.memref_slice %arg3[%mul3A_2] : memref<2048xi32, #tpu.memory_space<hbm>> -> memref<64xi32, #tpu.memory_space<hbm>>
      %dma_wait3A_12 = tpu.memref_slice %arg3[%mul3A_2] : memref<2048xi32, #tpu.memory_space<hbm>> -> memref<64xi32, #tpu.memory_space<hbm>>
      tpu.wait_dma2 semaphore(%run_scoped3A : memref<!tpu.dma_semaphore, #tpu.memory_space<semaphore_mem>>) src(%dma_wait3A_12 : memref<64xi32, #tpu.memory_space<hbm>>) dst(%arg7 : memref<64xi32, #tpu.memory_space<vmem>>)
      tpu.yield
    }) : () -> ()
    "tpu.region"() ({
      %run_scoped3A = tpu.sem_alloc : memref<!tpu.dma_semaphore, #tpu.memory_space<semaphore_mem>>
      %dma_start3A_9 = arith.constant 0 : i32
      %dma_start3A_10 = tpu.memref_slice %arg2[%mul3A_2, %dma_start3A_9] : memref<2048x768xf32, #tpu.memory_space<hbm>> -> memref<64x768xf32, #tpu.memory_space<hbm>>
      %dma_start3A_11 = arith.constant 0 : i32
      %dma_start3A_12 = tpu.memref_slice %arg2[%mul3A_2, %dma_start3A_11] : memref<2048x768xf32, #tpu.memory_space<hbm>> -> memref<64x768xf32, #tpu.memory_space<hbm>>
      tpu.enqueue_dma source(%dma_start3A_12 : memref<64x768xf32, #tpu.memory_space<hbm>>) target(%arg8 : memref<64x768xf32, #tpu.memory_space<vmem>>) target_semaphore(%run_scoped3A : memref<!tpu.dma_semaphore, #tpu.memory_space<semaphore_mem>>)
      %dma_wait3A_13 = arith.constant 0 : i32
      %dma_wait3A_14 = tpu.memref_slice %arg2[%mul3A_2, %dma_wait3A_13] : memref<2048x768xf32, #tpu.memory_space<hbm>> -> memref<64x768xf32, #tpu.memory_space<hbm>>
      %dma_wait3A_15 = arith.constant 0 : i32
      %dma_wait3A_16 = tpu.memref_slice %arg2[%mul3A_2, %dma_wait3A_15] : memref<2048x768xf32, #tpu.memory_space<hbm>> -> memref<64x768xf32, #tpu.memory_space<hbm>>
      tpu.wait_dma2 semaphore(%run_scoped3A : memref<!tpu.dma_semaphore, #tpu.memory_space<semaphore_mem>>) src(%dma_wait3A_16 : memref<64x768xf32, #tpu.memory_space<hbm>>) dst(%arg8 : memref<64x768xf32, #tpu.memory_space<vmem>>)
      tpu.yield
    }) : () -> ()
    %dma_start3A = arith.constant 0 : i32
    %dma_start3A_3 = arith.constant 0 : i32
    %dma_start3A_4 = tpu.memref_slice %arg5[%dma_start3A, %dma_start3A_3] : memref<10240x768xf32, #tpu.memory_space<hbm>> -> memref<10240x768xf32, #tpu.memory_space<hbm>>
    tpu.enqueue_indirect_dma source(%arg8 : memref<64x768xf32, #tpu.memory_space<vmem>>) target(%dma_start3A_4 : memref<10240x768xf32, #tpu.memory_space<hbm>>) offsets(%arg7 : memref<64xi32, #tpu.memory_space<vmem>>) semaphore(%arg12 : memref<!tpu.dma_semaphore, #tpu.memory_space<semaphore_mem>>)
    %eq3A = arith.constant 0 : i32
    %eq3A_5 = arith.cmpi eq, %add3A, %eq3A : i32
    %convert_element_type3A = arith.extui %eq3A_5 : i1 to i32
    %cond3A = arith.constant 0 : i32
    %cond3A_6 = arith.cmpi ne, %convert_element_type3A, %cond3A : i32
    scf.if %cond3A_6 {
      "tpu.region"() ({
        %run_scoped3A = tpu.sem_alloc : memref<!tpu.dma_semaphore, #tpu.memory_space<semaphore_mem>>
        tpu.enqueue_dma source(%arg3 : memref<2048xi32, #tpu.memory_space<hbm>>) target(%arg9 : memref<2048xi32, #tpu.memory_space<vmem>>) target_semaphore(%run_scoped3A : memref<!tpu.dma_semaphore, #tpu.memory_space<semaphore_mem>>)
        tpu.wait_dma2 semaphore(%run_scoped3A : memref<!tpu.dma_semaphore, #tpu.memory_space<semaphore_mem>>) src(%arg3 : memref<2048xi32, #tpu.memory_space<hbm>>) dst(%arg9 : memref<2048xi32, #tpu.memory_space<vmem>>)
        tpu.yield
      }) : () -> ()
      "tpu.region"() ({
        %run_scoped3A = tpu.sem_alloc : memref<!tpu.dma_semaphore, #tpu.memory_space<semaphore_mem>>
        tpu.enqueue_dma source(%arg4 : memref<2048xf32, #tpu.memory_space<hbm>>) target(%arg10 : memref<2048xf32, #tpu.memory_space<vmem>>) target_semaphore(%run_scoped3A : memref<!tpu.dma_semaphore, #tpu.memory_space<semaphore_mem>>)
        tpu.wait_dma2 semaphore(%run_scoped3A : memref<!tpu.dma_semaphore, #tpu.memory_space<semaphore_mem>>) src(%arg4 : memref<2048xf32, #tpu.memory_space<hbm>>) dst(%arg10 : memref<2048xf32, #tpu.memory_space<vmem>>)
        tpu.yield
      }) : () -> ()
      %scan3A = arith.constant 0 : i32
      %scan3A_9 = arith.constant 0 : i32
      %scan3A_10 = arith.constant 128 : i32
      %scan3A_11 = arith.addi %scan3A_9, %scan3A_10 : i32
      %scan3A_12 = arith.constant 1 : i32
      scf.for %scan3A_14 = %scan3A_9 to %scan3A_11 step %scan3A_12  : i32 {
        %mul3A_15 = arith.constant 16 : i32
        %mul3A_16 = arith.muli %scan3A_14, %mul3A_15 : i32
        %get3A = arith.index_cast %mul3A_16 : i32 to index
        %get3A_17 = tpu.vector_load %arg9[%get3A] {strides = array<i32>} : memref<2048xi32, #tpu.memory_space<vmem>>, vector<16xi32>,
        %mul3A_18 = arith.constant 16 : i32
        %mul3A_19 = arith.muli %scan3A_14, %mul3A_18 : i32
        %get3A_20 = arith.index_cast %mul3A_19 : i32 to index
        %get3A_21 = tpu.vector_load %arg10[%get3A_20] {strides = array<i32>} : memref<2048xf32, #tpu.memory_space<vmem>>, vector<16xf32>,
        tpu.vector_store_idx %arg11[%get3A_17], %get3A_21 : memref<10240xf32, #tpu.memory_space<vmem>>[vector<16xi32>], vector<16xf32>,
      }
      %scan3A_13 = arith.constant 128 : i32
      tpu.enqueue_dma source(%arg11 : memref<10240xf32, #tpu.memory_space<vmem>>) target(%arg6 : memref<10240xf32, #tpu.memory_space<hbm>>) target_semaphore(%arg13 : memref<!tpu.dma_semaphore, #tpu.memory_space<semaphore_mem>>)
      tpu.wait_dma2 semaphore(%arg13 : memref<!tpu.dma_semaphore, #tpu.memory_space<semaphore_mem>>) src(%arg11 : memref<10240xf32, #tpu.memory_space<vmem>>) dst(%arg6 : memref<10240xf32, #tpu.memory_space<hbm>>)
    } else {
    }
    %dma_wait3A = arith.constant 0 : i32
    %dma_wait3A_7 = arith.constant 0 : i32
    %dma_wait3A_8 = tpu.memref_slice %arg5[%dma_wait3A, %dma_wait3A_7] : memref<10240x768xf32, #tpu.memory_space<hbm>> -> memref<10240x768xf32, #tpu.memory_space<hbm>>
    tpu.wait_indirect_dma semaphore(%arg12 : memref<!tpu.dma_semaphore, #tpu.memory_space<semaphore_mem>>) src(%arg8 : memref<64x768xf32, #tpu.memory_space<vmem>>) dst(%dma_wait3A_8 : memref<10240x768xf32, #tpu.memory_space<hbm>>)
    return
  }
}

#map = affine_map<(d0, d1) -> (0, 0)>
#map1 = affine_map<(d0, d1) -> (0)>
module attributes {stable_mosaic.version = 14 : i64} {
  func.func @_combine(%arg0: i32, %arg1: i32, %arg2: memref<10240x768xf32, #tpu.memory_space<hbm>>, %arg3: memref<2048xi32, #tpu.memory_space<hbm>>, %arg4: memref<2048x768xf32, #tpu.memory_space<hbm>>, %arg5: memref<32xi32, #tpu.memory_space<vmem>>, %arg6: memref<32xi32, #tpu.memory_space<vmem>>, %arg7: memref<32x768xf32, #tpu.memory_space<vmem>>, %arg8: memref<32x768xf32, #tpu.memory_space<vmem>>, %arg9: memref<!tpu.dma_semaphore, #tpu.memory_space<semaphore_mem>>, %arg10: memref<!tpu.dma_semaphore, #tpu.memory_space<semaphore_mem>>, %arg11: memref<!tpu.dma_semaphore, #tpu.memory_space<semaphore_mem>>) attributes {dimension_semantics = [#tpu.dimension_semantics<core_parallel>, #tpu.dimension_semantics<subcore_parallel>], iteration_bounds = array<i64: 2, 16>, scalar_prefetch = 0 : i64, scratch_operands = 7 : i64, tpu.core_type = #tpu.core_type<sc_vector_subcore>, window_params = [{transform_indices = #map}, {transform_indices = #map1}, {transform_indices = #map}]} {
    %mul3A = arith.constant 2 : i32
    %mul3A_0 = arith.muli %arg1, %mul3A : i32
    %add3A = arith.addi %mul3A_0, %arg0 : i32
    %mul3A_1 = arith.constant 64 : i32
    %mul3A_2 = arith.muli %add3A, %mul3A_1 : i32
    "tpu.region"() ({
      %run_scoped3A = tpu.sem_alloc : memref<!tpu.dma_semaphore, #tpu.memory_space<semaphore_mem>>
      %dma_start3A_33 = tpu.memref_slice %arg3[%mul3A_2] : memref<2048xi32, #tpu.memory_space<hbm>> -> memref<32xi32, #tpu.memory_space<hbm>>
      %dma_start3A_34 = tpu.memref_slice %arg3[%mul3A_2] : memref<2048xi32, #tpu.memory_space<hbm>> -> memref<32xi32, #tpu.memory_space<hbm>>
      tpu.enqueue_dma source(%dma_start3A_34 : memref<32xi32, #tpu.memory_space<hbm>>) target(%arg5 : memref<32xi32, #tpu.memory_space<vmem>>) target_semaphore(%run_scoped3A : memref<!tpu.dma_semaphore, #tpu.memory_space<semaphore_mem>>)
      %dma_wait3A_35 = tpu.memref_slice %arg3[%mul3A_2] : memref<2048xi32, #tpu.memory_space<hbm>> -> memref<32xi32, #tpu.memory_space<hbm>>
      %dma_wait3A_36 = tpu.memref_slice %arg3[%mul3A_2] : memref<2048xi32, #tpu.memory_space<hbm>> -> memref<32xi32, #tpu.memory_space<hbm>>
      tpu.wait_dma2 semaphore(%run_scoped3A : memref<!tpu.dma_semaphore, #tpu.memory_space<semaphore_mem>>) src(%dma_wait3A_36 : memref<32xi32, #tpu.memory_space<hbm>>) dst(%arg5 : memref<32xi32, #tpu.memory_space<vmem>>)
      tpu.yield
    }) : () -> ()
    %add3A_3 = arith.constant 32 : i32
    %add3A_4 = arith.addi %mul3A_2, %add3A_3 : i32
    "tpu.region"() ({
      %run_scoped3A = tpu.sem_alloc : memref<!tpu.dma_semaphore, #tpu.memory_space<semaphore_mem>>
      %dma_start3A_33 = tpu.memref_slice %arg3[%add3A_4] : memref<2048xi32, #tpu.memory_space<hbm>> -> memref<32xi32, #tpu.memory_space<hbm>>
      %dma_start3A_34 = tpu.memref_slice %arg3[%add3A_4] : memref<2048xi32, #tpu.memory_space<hbm>> -> memref<32xi32, #tpu.memory_space<hbm>>
      tpu.enqueue_dma source(%dma_start3A_34 : memref<32xi32, #tpu.memory_space<hbm>>) target(%arg6 : memref<32xi32, #tpu.memory_space<vmem>>) target_semaphore(%run_scoped3A : memref<!tpu.dma_semaphore, #tpu.memory_space<semaphore_mem>>)
      %dma_wait3A_35 = tpu.memref_slice %arg3[%add3A_4] : memref<2048xi32, #tpu.memory_space<hbm>> -> memref<32xi32, #tpu.memory_space<hbm>>
      %dma_wait3A_36 = tpu.memref_slice %arg3[%add3A_4] : memref<2048xi32, #tpu.memory_space<hbm>> -> memref<32xi32, #tpu.memory_space<hbm>>
      tpu.wait_dma2 semaphore(%run_scoped3A : memref<!tpu.dma_semaphore, #tpu.memory_space<semaphore_mem>>) src(%dma_wait3A_36 : memref<32xi32, #tpu.memory_space<hbm>>) dst(%arg6 : memref<32xi32, #tpu.memory_space<vmem>>)
      tpu.yield
    }) : () -> ()
    %dma_start3A = arith.constant 0 : i32
    %dma_start3A_5 = arith.constant 0 : i32
    %dma_start3A_6 = tpu.memref_slice %arg2[%dma_start3A, %dma_start3A_5] : memref<10240x768xf32, #tpu.memory_space<hbm>> -> memref<10240x768xf32, #tpu.memory_space<hbm>>
    tpu.enqueue_indirect_dma source(%dma_start3A_6 : memref<10240x768xf32, #tpu.memory_space<hbm>>) target(%arg7 : memref<32x768xf32, #tpu.memory_space<vmem>>) offsets(%arg5 : memref<32xi32, #tpu.memory_space<vmem>>) semaphore(%arg9 : memref<!tpu.dma_semaphore, #tpu.memory_space<semaphore_mem>>)
    %dma_wait3A = arith.constant 0 : i32
    %dma_wait3A_7 = arith.constant 0 : i32
    %dma_wait3A_8 = tpu.memref_slice %arg2[%dma_wait3A, %dma_wait3A_7] : memref<10240x768xf32, #tpu.memory_space<hbm>> -> memref<10240x768xf32, #tpu.memory_space<hbm>>
    tpu.wait_indirect_dma semaphore(%arg9 : memref<!tpu.dma_semaphore, #tpu.memory_space<semaphore_mem>>) src(%dma_wait3A_8 : memref<10240x768xf32, #tpu.memory_space<hbm>>) dst(%arg7 : memref<32x768xf32, #tpu.memory_space<vmem>>)
    %dma_start3A_9 = arith.constant 0 : i32
    %dma_start3A_10 = tpu.memref_slice %arg4[%mul3A_2, %dma_start3A_9] : memref<2048x768xf32, #tpu.memory_space<hbm>> -> memref<32x768xf32, #tpu.memory_space<hbm>>
    %dma_start3A_11 = arith.constant 0 : i32
    %dma_start3A_12 = tpu.memref_slice %arg4[%mul3A_2, %dma_start3A_11] : memref<2048x768xf32, #tpu.memory_space<hbm>> -> memref<32x768xf32, #tpu.memory_space<hbm>>
    tpu.enqueue_dma source(%arg7 : memref<32x768xf32, #tpu.memory_space<vmem>>) target(%dma_start3A_12 : memref<32x768xf32, #tpu.memory_space<hbm>>) target_semaphore(%arg10 : memref<!tpu.dma_semaphore, #tpu.memory_space<semaphore_mem>>)
    %dma_start3A_13 = arith.constant 0 : i32
    %dma_start3A_14 = arith.constant 0 : i32
    %dma_start3A_15 = tpu.memref_slice %arg2[%dma_start3A_13, %dma_start3A_14] : memref<10240x768xf32, #tpu.memory_space<hbm>> -> memref<10240x768xf32, #tpu.memory_space<hbm>>
    tpu.enqueue_indirect_dma source(%dma_start3A_15 : memref<10240x768xf32, #tpu.memory_space<hbm>>) target(%arg8 : memref<32x768xf32, #tpu.memory_space<vmem>>) offsets(%arg6 : memref<32xi32, #tpu.memory_space<vmem>>) semaphore(%arg9 : memref<!tpu.dma_semaphore, #tpu.memory_space<semaphore_mem>>)
    %dma_wait3A_16 = arith.constant 0 : i32
    %dma_wait3A_17 = arith.constant 0 : i32
    %dma_wait3A_18 = tpu.memref_slice %arg2[%dma_wait3A_16, %dma_wait3A_17] : memref<10240x768xf32, #tpu.memory_space<hbm>> -> memref<10240x768xf32, #tpu.memory_space<hbm>>
    tpu.wait_indirect_dma semaphore(%arg9 : memref<!tpu.dma_semaphore, #tpu.memory_space<semaphore_mem>>) src(%dma_wait3A_18 : memref<10240x768xf32, #tpu.memory_space<hbm>>) dst(%arg8 : memref<32x768xf32, #tpu.memory_space<vmem>>)
    %add3A_19 = arith.constant 32 : i32
    %add3A_20 = arith.addi %mul3A_2, %add3A_19 : i32
    %dma_start3A_21 = arith.constant 0 : i32
    %dma_start3A_22 = tpu.memref_slice %arg4[%add3A_20, %dma_start3A_21] : memref<2048x768xf32, #tpu.memory_space<hbm>> -> memref<32x768xf32, #tpu.memory_space<hbm>>
    %dma_start3A_23 = arith.constant 0 : i32
    %dma_start3A_24 = tpu.memref_slice %arg4[%add3A_20, %dma_start3A_23] : memref<2048x768xf32, #tpu.memory_space<hbm>> -> memref<32x768xf32, #tpu.memory_space<hbm>>
    tpu.enqueue_dma source(%arg8 : memref<32x768xf32, #tpu.memory_space<vmem>>) target(%dma_start3A_24 : memref<32x768xf32, #tpu.memory_space<hbm>>) target_semaphore(%arg11 : memref<!tpu.dma_semaphore, #tpu.memory_space<semaphore_mem>>)
    %dma_wait3A_25 = arith.constant 0 : i32
    %dma_wait3A_26 = tpu.memref_slice %arg4[%mul3A_2, %dma_wait3A_25] : memref<2048x768xf32, #tpu.memory_space<hbm>> -> memref<32x768xf32, #tpu.memory_space<hbm>>
    %dma_wait3A_27 = arith.constant 0 : i32
    %dma_wait3A_28 = tpu.memref_slice %arg4[%mul3A_2, %dma_wait3A_27] : memref<2048x768xf32, #tpu.memory_space<hbm>> -> memref<32x768xf32, #tpu.memory_space<hbm>>
    tpu.wait_dma2 semaphore(%arg10 : memref<!tpu.dma_semaphore, #tpu.memory_space<semaphore_mem>>) src(%arg7 : memref<32x768xf32, #tpu.memory_space<vmem>>) dst(%dma_wait3A_28 : memref<32x768xf32, #tpu.memory_space<hbm>>)
    %dma_wait3A_29 = arith.constant 0 : i32
    %dma_wait3A_30 = tpu.memref_slice %arg4[%add3A_20, %dma_wait3A_29] : memref<2048x768xf32, #tpu.memory_space<hbm>> -> memref<32x768xf32, #tpu.memory_space<hbm>>
    %dma_wait3A_31 = arith.constant 0 : i32
    %dma_wait3A_32 = tpu.memref_slice %arg4[%add3A_20, %dma_wait3A_31] : memref<2048x768xf32, #tpu.memory_space<hbm>> -> memref<32x768xf32, #tpu.memory_space<hbm>>
    tpu.wait_dma2 semaphore(%arg11 : memref<!tpu.dma_semaphore, #tpu.memory_space<semaphore_mem>>) src(%arg8 : memref<32x768xf32, #tpu.memory_space<vmem>>) dst(%dma_wait3A_32 : memref<32x768xf32, #tpu.memory_space<hbm>>)
    return
  }
}

module attributes {stable_mosaic.version = 14 : i64} {
  func.func @_router_body(%arg0: memref<2048x768xf32, #tpu.memory_space<vmem>>, %arg1: memref<768x64xf32, #tpu.memory_space<vmem>>, %arg2: memref<1x64xf32, #tpu.memory_space<vmem>>, %arg3: memref<2048x1xi32, #tpu.memory_space<vmem>>, %arg4: memref<2048x1xf32, #tpu.memory_space<vmem>>, %arg5: memref<80x1xi32, #tpu.memory_space<vmem>>, %arg6: memref<80x1xi32, #tpu.memory_space<vmem>>, %arg7: memref<80x1xi32, #tpu.memory_space<vmem>>, %arg8: memref<1x1xf32, #tpu.memory_space<vmem>>) attributes {dimension_semantics = [], scalar_prefetch = 0 : i64, scratch_operands = 0 : i64, tpu.core_type = #tpu.core_type<tc>} {
    %get3A = arith.constant 0 : index
    %get3A_0 = arith.constant 0 : index
    %get3A_1 = vector.load %arg0[%get3A, %get3A_0] : memref<2048x768xf32, #tpu.memory_space<vmem>>, vector<2048x768xf32>
    %get3A_2 = arith.constant 0 : index
    %get3A_3 = arith.constant 0 : index
    %get3A_4 = vector.load %arg1[%get3A_2, %get3A_3] : memref<768x64xf32, #tpu.memory_space<vmem>>, vector<768x64xf32>
    %dot_general3A = arith.constant dense<0.000000e+00> : vector<2048x64xf32>
    %dot_general3A_5 = tpu.matmul %get3A_1, %get3A_4, %dot_general3A {dimension_numbers = #tpu.dot_dimension_numbers<[1], [0], [0], [1], [0, 0, 1, 1], [], []>, transpose_lhs_hint = false} : vector<2048x768xf32>, vector<768x64xf32>, vector<2048x64xf32> -> vector<2048x64xf32>
    %get3A_6 = arith.constant 0 : index
    %get3A_7 = arith.constant 0 : index
    %get3A_8 = vector.load %arg2[%get3A_6, %get3A_7] : memref<1x64xf32, #tpu.memory_space<vmem>>, vector<1x64xf32>
    %add3A = vector.broadcast %get3A_8 : vector<1x64xf32> to vector<2048x64xf32>
    %add3A_9 = arith.addf %dot_general3A_5, %add3A : vector<2048x64xf32>
    %reduce_max3A = arith.constant dense<0xFF800000> : vector<2048xf32>
    %reduce_max3A_10 = vector.multi_reduction <maximumf>, %add3A_9, %reduce_max3A [1] : vector<2048x64xf32> to vector<2048xf32>
    %broadcast_in_dim3A = vector.shape_cast %reduce_max3A_10 : vector<2048xf32> to vector<2048x1xf32>
    %sub3A = vector.broadcast %broadcast_in_dim3A : vector<2048x1xf32> to vector<2048x64xf32>
    %sub3A_11 = arith.subf %add3A_9, %sub3A : vector<2048x64xf32>
    %exp3A = math.exp %sub3A_11 : vector<2048x64xf32>
    %reduce_sum3A = arith.constant dense<0.000000e+00> : vector<2048xf32>
    %reduce_sum3A_12 = vector.multi_reduction <add>, %exp3A, %reduce_sum3A [1] : vector<2048x64xf32> to vector<2048xf32>
    %broadcast_in_dim3A_13 = vector.shape_cast %reduce_sum3A_12 : vector<2048xf32> to vector<2048x1xf32>
    %div3A = vector.broadcast %broadcast_in_dim3A_13 : vector<2048x1xf32> to vector<2048x64xf32>
    %div3A_14 = arith.divf %exp3A, %div3A : vector<2048x64xf32>
    %reduce_sum3A_15 = arith.constant dense<0.000000e+00> : vector<64xf32>
    %reduce_sum3A_16 = vector.multi_reduction <add>, %div3A_14, %reduce_sum3A_15 [0] : vector<2048x64xf32> to vector<64xf32>
    %broadcast_in_dim3A_17 = vector.shape_cast %reduce_sum3A_16 : vector<64xf32> to vector<1x64xf32>
    %mul3A = arith.constant 4.8828125E-4 : f32
    %mul3A_18 = vector.broadcast %mul3A : f32 to vector<1x64xf32>
    %mul3A_19 = arith.mulf %broadcast_in_dim3A_17, %mul3A_18 : vector<1x64xf32>
    %mul3A_20 = arith.mulf %mul3A_19, %mul3A_19 : vector<1x64xf32>
    %reduce_sum3A_21 = arith.constant dense<0.000000e+00> : vector<1xf32>
    %reduce_sum3A_22 = vector.multi_reduction <add>, %mul3A_20, %reduce_sum3A_21 [1] : vector<1x64xf32> to vector<1xf32>
    %broadcast_in_dim3A_23 = vector.shape_cast %reduce_sum3A_22 : vector<1xf32> to vector<1x1xf32>
    %mul3A_24 = arith.constant 6.400000e+01 : f32
    %mul3A_25 = vector.broadcast %mul3A_24 : f32 to vector<1x1xf32>
    %mul3A_26 = arith.mulf %broadcast_in_dim3A_23, %mul3A_25 : vector<1x1xf32>
    %swap3A = arith.constant 0 : index
    %swap3A_27 = arith.constant 0 : index
    %swap3A_28 = vector.load %arg8[%swap3A, %swap3A_27] : memref<1x1xf32, #tpu.memory_space<vmem>>, vector<1x1xf32>
    tpu.vector_store %arg8[%swap3A, %swap3A_27], %mul3A_26 {strides = array<i32>} : memref<1x1xf32, #tpu.memory_space<vmem>>, vector<1x1xf32>,
    %iota3A = tpu.iota {dimensions = array<i32: 1>} : vector<2048x64xi32>
    %eq3A = vector.broadcast %broadcast_in_dim3A : vector<2048x1xf32> to vector<2048x64xf32>
    %eq3A_29 = arith.cmpf oeq, %add3A_9, %eq3A : vector<2048x64xf32>
    %jit3A = arith.constant 64 : i32
    %broadcast_in_dim3A_30 = vector.broadcast %jit3A : i32 to vector<2048x64xi32>
    %select_n3A = arith.select %eq3A_29, %iota3A, %broadcast_in_dim3A_30 : vector<2048x64xi1>, vector<2048x64xi32>
    %reduce_min3A = arith.constant dense<2147483647> : vector<2048xi32>
    %reduce_min3A_31 = vector.multi_reduction <minsi>, %select_n3A, %reduce_min3A [1] : vector<2048x64xi32> to vector<2048xi32>
    %broadcast_in_dim3A_32 = vector.shape_cast %reduce_min3A_31 : vector<2048xi32> to vector<2048x1xi32>
    %eq3A_33 = vector.broadcast %broadcast_in_dim3A_32 : vector<2048x1xi32> to vector<2048x64xi32>
    %eq3A_34 = arith.cmpi eq, %iota3A, %eq3A_33 : vector<2048x64xi32>
    %convert_element_type3A = arith.extui %eq3A_34 : vector<2048x64xi1> to vector<2048x64xi32>
    %convert_element_type3A_35 = arith.sitofp %convert_element_type3A : vector<2048x64xi32> to vector<2048x64xf32>
    %reduce_sum3A_36 = arith.constant dense<0.000000e+00> : vector<64xf32>
    %reduce_sum3A_37 = vector.multi_reduction <add>, %convert_element_type3A_35, %reduce_sum3A_36 [0] : vector<2048x64xf32> to vector<64xf32>
    %broadcast_in_dim3A_38 = vector.shape_cast %reduce_sum3A_37 : vector<64xf32> to vector<1x64xf32>
    %mul3A_39 = arith.constant 7.812500e-03 : f32
    %mul3A_40 = vector.broadcast %mul3A_39 : f32 to vector<1x64xf32>
    %mul3A_41 = arith.mulf %broadcast_in_dim3A_38, %mul3A_40 : vector<1x64xf32>
    %ceil3A = math.ceil %mul3A_41 : vector<1x64xf32>
    %iota3A_42 = tpu.iota {dimensions = array<i32: 0>} : vector<64x64xi32>
    %iota3A_43 = tpu.iota {dimensions = array<i32: 1>} : vector<64x64xi32>
    %le3A = arith.cmpi sle, %iota3A_42, %iota3A_43 : vector<64x64xi32>
    %convert_element_type3A_44 = arith.extui %le3A : vector<64x64xi1> to vector<64x64xi32>
    %convert_element_type3A_45 = arith.sitofp %convert_element_type3A_44 : vector<64x64xi32> to vector<64x64xf32>
    %dot_general3A_46 = arith.constant dense<0.000000e+00> : vector<1x64xf32>
    %dot_general3A_47 = tpu.matmul %ceil3A, %convert_element_type3A_45, %dot_general3A_46 {dimension_numbers = #tpu.dot_dimension_numbers<[1], [0], [0], [1], [0, 0, 1, 1], [], []>, transpose_lhs_hint = false} : vector<1x64xf32>, vector<64x64xf32>, vector<1x64xf32> -> vector<1x64xf32>
    %sub3A_48 = arith.subf %dot_general3A_47, %ceil3A : vector<1x64xf32>
    %iota3A_49 = tpu.iota {dimensions = array<i32: 1>} : vector<2048x2048xi32>
    %iota3A_50 = tpu.iota {dimensions = array<i32: 0>} : vector<2048x2048xi32>
    %lt3A = arith.cmpi slt, %iota3A_49, %iota3A_50 : vector<2048x2048xi32>
    %convert_element_type3A_51 = arith.extui %lt3A : vector<2048x2048xi1> to vector<2048x2048xi32>
    %convert_element_type3A_52 = arith.sitofp %convert_element_type3A_51 : vector<2048x2048xi32> to vector<2048x2048xf32>
    %convert_element_type3A_53 = arith.truncf %convert_element_type3A_52 : vector<2048x2048xf32> to vector<2048x2048xbf16>
    %convert_element_type3A_54 = arith.truncf %convert_element_type3A_35 : vector<2048x64xf32> to vector<2048x64xbf16>
    %dot_general3A_55 = arith.constant dense<0.000000e+00> : vector<2048x64xf32>
    %dot_general3A_56 = tpu.matmul %convert_element_type3A_53, %convert_element_type3A_54, %dot_general3A_55 {dimension_numbers = #tpu.dot_dimension_numbers<[1], [0], [0], [1], [0, 0, 1, 1], [], []>, transpose_lhs_hint = false} : vector<2048x2048xbf16>, vector<2048x64xbf16>, vector<2048x64xf32> -> vector<2048x64xf32>
    %mul3A_57 = arith.mulf %dot_general3A_56, %convert_element_type3A_35 : vector<2048x64xf32>
    %reduce_sum3A_58 = arith.constant dense<0.000000e+00> : vector<2048xf32>
    %reduce_sum3A_59 = vector.multi_reduction <add>, %mul3A_57, %reduce_sum3A_58 [1] : vector<2048x64xf32> to vector<2048xf32>
    %broadcast_in_dim3A_60 = vector.shape_cast %reduce_sum3A_59 : vector<2048xf32> to vector<2048x1xf32>
    %mul3A_61 = vector.broadcast %sub3A_48 : vector<1x64xf32> to vector<2048x64xf32>
    %mul3A_62 = arith.mulf %convert_element_type3A_35, %mul3A_61 : vector<2048x64xf32>
    %reduce_sum3A_63 = arith.constant dense<0.000000e+00> : vector<2048xf32>
    %reduce_sum3A_64 = vector.multi_reduction <add>, %mul3A_62, %reduce_sum3A_63 [1] : vector<2048x64xf32> to vector<2048xf32>
    %broadcast_in_dim3A_65 = vector.shape_cast %reduce_sum3A_64 : vector<2048xf32> to vector<2048x1xf32>
    %mul3A_66 = arith.constant 1.280000e+02 : f32
    %mul3A_67 = vector.broadcast %mul3A_66 : f32 to vector<2048x1xf32>
    %mul3A_68 = arith.mulf %broadcast_in_dim3A_65, %mul3A_67 : vector<2048x1xf32>
    %add3A_69 = arith.addf %mul3A_68, %broadcast_in_dim3A_60 : vector<2048x1xf32>
    %convert_element_type3A_70 = arith.fptosi %add3A_69 : vector<2048x1xf32> to vector<2048x1xi32>
    %swap3A_71 = arith.constant 0 : index
    %swap3A_72 = arith.constant 0 : index
    %swap3A_73 = vector.load %arg3[%swap3A_71, %swap3A_72] : memref<2048x1xi32, #tpu.memory_space<vmem>>, vector<2048x1xi32>
    tpu.vector_store %arg3[%swap3A_71, %swap3A_72], %convert_element_type3A_70 {strides = array<i32>} : memref<2048x1xi32, #tpu.memory_space<vmem>>, vector<2048x1xi32>,
    %div3A_74 = arith.constant 1.000000e+00 : f32
    %div3A_75 = vector.broadcast %div3A_74 : f32 to vector<2048x1xf32>
    %div3A_76 = arith.divf %div3A_75, %broadcast_in_dim3A_13 : vector<2048x1xf32>
    %swap3A_77 = arith.constant 0 : index
    %swap3A_78 = arith.constant 0 : index
    %swap3A_79 = vector.load %arg4[%swap3A_77, %swap3A_78] : memref<2048x1xf32, #tpu.memory_space<vmem>>, vector<2048x1xf32>
    tpu.vector_store %arg4[%swap3A_77, %swap3A_78], %div3A_76 {strides = array<i32>} : memref<2048x1xf32, #tpu.memory_space<vmem>>, vector<2048x1xf32>,
    %convert_element_type3A_80 = arith.fptosi %dot_general3A_47 : vector<1x64xf32> to vector<1x64xi32>
    %reduce_sum3A_81 = arith.constant dense<0.000000e+00> : vector<1xf32>
    %reduce_sum3A_82 = vector.multi_reduction <add>, %ceil3A, %reduce_sum3A_81 [1] : vector<1x64xf32> to vector<1xf32>
    %broadcast_in_dim3A_83 = vector.shape_cast %reduce_sum3A_82 : vector<1xf32> to vector<1x1xf32>
    %convert_element_type3A_84 = arith.fptosi %broadcast_in_dim3A_83 : vector<1x1xf32> to vector<1x1xi32>
    %iota3A_85 = tpu.iota {dimensions = array<i32: 0>} : vector<80x64xi32>
    %sub3A_86 = arith.constant 1 : i32
    %sub3A_87 = vector.broadcast %sub3A_86 : i32 to vector<1x1xi32>
    %sub3A_88 = arith.subi %convert_element_type3A_84, %sub3A_87 : vector<1x1xi32>
    %min3A = vector.broadcast %sub3A_88 : vector<1x1xi32> to vector<80x64xi32>
    %min3A_89 = arith.minsi %iota3A_85, %min3A : vector<80x64xi32>
    %le3A_90 = vector.broadcast %convert_element_type3A_80 : vector<1x64xi32> to vector<80x64xi32>
    %le3A_91 = arith.cmpi sle, %le3A_90, %min3A_89 : vector<80x64xi32>
    %convert_element_type3A_92 = arith.extui %le3A_91 : vector<80x64xi1> to vector<80x64xi32>
    %reduce_sum3A_93 = arith.constant dense<0> : vector<80xi32>
    %reduce_sum3A_94 = vector.multi_reduction <add>, %convert_element_type3A_92, %reduce_sum3A_93 [1] : vector<80x64xi32> to vector<80xi32>
    %broadcast_in_dim3A_95 = vector.shape_cast %reduce_sum3A_94 : vector<80xi32> to vector<80x1xi32>
    %min3A_96 = arith.constant 63 : i32
    %min3A_97 = vector.broadcast %min3A_96 : i32 to vector<80x1xi32>
    %min3A_98 = arith.minsi %broadcast_in_dim3A_95, %min3A_97 : vector<80x1xi32>
    %swap3A_99 = arith.constant 0 : index
    %swap3A_100 = arith.constant 0 : index
    %swap3A_101 = vector.load %arg5[%swap3A_99, %swap3A_100] : memref<80x1xi32, #tpu.memory_space<vmem>>, vector<80x1xi32>
    tpu.vector_store %arg5[%swap3A_99, %swap3A_100], %min3A_98 {strides = array<i32>} : memref<80x1xi32, #tpu.memory_space<vmem>>, vector<80x1xi32>,
    %iota3A_102 = tpu.iota {dimensions = array<i32: 0>} : vector<80x1xi32>
    %sub3A_103 = arith.constant 1 : i32
    %sub3A_104 = vector.broadcast %sub3A_103 : i32 to vector<1x1xi32>
    %sub3A_105 = arith.subi %convert_element_type3A_84, %sub3A_104 : vector<1x1xi32>
    %min3A_106 = vector.broadcast %sub3A_105 : vector<1x1xi32> to vector<80x1xi32>
    %min3A_107 = arith.minsi %iota3A_102, %min3A_106 : vector<80x1xi32>
    %swap3A_108 = arith.constant 0 : index
    %swap3A_109 = arith.constant 0 : index
    %swap3A_110 = vector.load %arg7[%swap3A_108, %swap3A_109] : memref<80x1xi32, #tpu.memory_space<vmem>>, vector<80x1xi32>
    tpu.vector_store %arg7[%swap3A_108, %swap3A_109], %min3A_107 {strides = array<i32>} : memref<80x1xi32, #tpu.memory_space<vmem>>, vector<80x1xi32>,
    %lt3A_111 = vector.broadcast %convert_element_type3A_84 : vector<1x1xi32> to vector<80x1xi32>
    %lt3A_112 = arith.cmpi slt, %iota3A_102, %lt3A_111 : vector<80x1xi32>
    %convert_element_type3A_113 = arith.extui %lt3A_112 : vector<80x1xi1> to vector<80x1xi32>
    %swap3A_114 = arith.constant 0 : index
    %swap3A_115 = arith.constant 0 : index
    %swap3A_116 = vector.load %arg6[%swap3A_114, %swap3A_115] : memref<80x1xi32, #tpu.memory_space<vmem>>, vector<80x1xi32>
    tpu.vector_store %arg6[%swap3A_114, %swap3A_115], %convert_element_type3A_113 {strides = array<i32>} : memref<80x1xi32, #tpu.memory_space<vmem>>, vector<80x1xi32>,
    return
  }
}

module attributes {stable_mosaic.version = 14 : i64} {
  func.func @_ffn_body(%arg0: i32, %arg1: memref<80xi32, #tpu.memory_space<smem>>, %arg2: memref<80xi32, #tpu.memory_space<smem>>, %arg3: memref<80xi32, #tpu.memory_space<smem>>, %arg4: memref<128x768xf32, #tpu.memory_space<vmem>>, %arg5: memref<1x768x2048xf32, #tpu.memory_space<vmem>>, %arg6: memref<1x1x2048xf32, #tpu.memory_space<vmem>>, %arg7: memref<1x768x2048xf32, #tpu.memory_space<vmem>>, %arg8: memref<1x1x2048xf32, #tpu.memory_space<vmem>>, %arg9: memref<1x2048x768xf32, #tpu.memory_space<vmem>>, %arg10: memref<1x1x768xf32, #tpu.memory_space<vmem>>, %arg11: memref<128x1xf32, #tpu.memory_space<vmem>>, %arg12: memref<128x768xf32, #tpu.memory_space<vmem>>) attributes {dimension_semantics = [#tpu.dimension_semantics<arbitrary>], iteration_bounds = array<i64: 80>, scalar_prefetch = 3 : i64, scratch_operands = 0 : i64, tpu.core_type = #tpu.core_type<tc>, window_params = [{transform_indices = @transform_0, window_bounds = array<i64: 128, 768>}, {transform_indices = @transform_1, window_bounds = array<i64: 1, 768, 2048>}, {transform_indices = @transform_2, window_bounds = array<i64: 1, 1, 2048>}, {transform_indices = @transform_3, window_bounds = array<i64: 1, 768, 2048>}, {transform_indices = @transform_4, window_bounds = array<i64: 1, 1, 2048>}, {transform_indices = @transform_5, window_bounds = array<i64: 1, 2048, 768>}, {transform_indices = @transform_6, window_bounds = array<i64: 1, 1, 768>}, {transform_indices = @transform_7, window_bounds = array<i64: 128, 1>}, {transform_indices = @transform_8, window_bounds = array<i64: 128, 768>}]} {
    %get3A = arith.index_cast %arg0 : i32 to index
    %get3A_0 = memref.load %arg2[%get3A] : memref<80xi32, #tpu.memory_space<smem>>
    %eq3A = arith.constant 1 : i32
    %eq3A_1 = arith.cmpi eq, %get3A_0, %eq3A : i32
    %convert_element_type3A = arith.extui %eq3A_1 : i1 to i32
    %cond3A = arith.constant 0 : i32
    %cond3A_2 = arith.cmpi ne, %convert_element_type3A, %cond3A : i32
    scf.if %cond3A_2 {
      %get3A_3 = arith.constant 0 : index
      %get3A_4 = arith.constant 0 : index
      %get3A_5 = vector.load %arg4[%get3A_3, %get3A_4] : memref<128x768xf32, #tpu.memory_space<vmem>>, vector<128x768xf32>
      %get3A_6 = arith.constant 0 : index
      %get3A_7 = arith.constant 0 : index
      %get3A_8 = arith.constant 0 : index
      %get3A_9 = vector.load %arg5[%get3A_6, %get3A_7, %get3A_8] : memref<1x768x2048xf32, #tpu.memory_space<vmem>>, vector<1x768x2048xf32>
      %get3A_10 = vector.shape_cast %get3A_9 : vector<1x768x2048xf32> to vector<768x2048xf32>
      %dot_general3A = arith.constant dense<0.000000e+00> : vector<128x2048xf32>
      %dot_general3A_11 = tpu.matmul %get3A_5, %get3A_10, %dot_general3A {dimension_numbers = #tpu.dot_dimension_numbers<[1], [0], [0], [1], [0, 0, 1, 1], [], []>, transpose_lhs_hint = false} : vector<128x768xf32>, vector<768x2048xf32>, vector<128x2048xf32> -> vector<128x2048xf32>
      %get3A_12 = arith.constant 0 : index
      %get3A_13 = arith.constant 0 : index
      %get3A_14 = arith.constant 0 : index
      %get3A_15 = vector.load %arg6[%get3A_12, %get3A_13, %get3A_14] : memref<1x1x2048xf32, #tpu.memory_space<vmem>>, vector<1x1x2048xf32>
      %get3A_16 = vector.shape_cast %get3A_15 : vector<1x1x2048xf32> to vector<1x2048xf32>
      %add3A = vector.broadcast %get3A_16 : vector<1x2048xf32> to vector<128x2048xf32>
      %add3A_17 = arith.addf %dot_general3A_11, %add3A : vector<128x2048xf32>
      %get3A_18 = arith.constant 0 : index
      %get3A_19 = arith.constant 0 : index
      %get3A_20 = arith.constant 0 : index
      %get3A_21 = vector.load %arg7[%get3A_18, %get3A_19, %get3A_20] : memref<1x768x2048xf32, #tpu.memory_space<vmem>>, vector<1x768x2048xf32>
      %get3A_22 = vector.shape_cast %get3A_21 : vector<1x768x2048xf32> to vector<768x2048xf32>
      %dot_general3A_23 = arith.constant dense<0.000000e+00> : vector<128x2048xf32>
      %dot_general3A_24 = tpu.matmul %get3A_5, %get3A_22, %dot_general3A_23 {dimension_numbers = #tpu.dot_dimension_numbers<[1], [0], [0], [1], [0, 0, 1, 1], [], []>, transpose_lhs_hint = false} : vector<128x768xf32>, vector<768x2048xf32>, vector<128x2048xf32> -> vector<128x2048xf32>
      %get3A_25 = arith.constant 0 : index
      %get3A_26 = arith.constant 0 : index
      %get3A_27 = arith.constant 0 : index
      %get3A_28 = vector.load %arg8[%get3A_25, %get3A_26, %get3A_27] : memref<1x1x2048xf32, #tpu.memory_space<vmem>>, vector<1x1x2048xf32>
      %get3A_29 = vector.shape_cast %get3A_28 : vector<1x1x2048xf32> to vector<1x2048xf32>
      %add3A_30 = vector.broadcast %get3A_29 : vector<1x2048xf32> to vector<128x2048xf32>
      %add3A_31 = arith.addf %dot_general3A_24, %add3A_30 : vector<128x2048xf32>
      %logistic3A = arith.negf %add3A_31 : vector<128x2048xf32>
      %logistic3A_32 = math.exp %logistic3A : vector<128x2048xf32>
      %logistic3A_33 = arith.constant 1.000000e+00 : f32
      %logistic3A_34 = vector.broadcast %logistic3A_33 : f32 to vector<128x2048xf32>
      %logistic3A_35 = arith.addf %logistic3A_34, %logistic3A_32 : vector<128x2048xf32>
      %logistic3A_36 = arith.divf %logistic3A_34, %logistic3A_35 : vector<128x2048xf32>
      %mul3A = arith.mulf %add3A_31, %logistic3A_36 : vector<128x2048xf32>
      %mul3A_37 = arith.mulf %add3A_17, %mul3A : vector<128x2048xf32>
      %get3A_38 = arith.constant 0 : index
      %get3A_39 = arith.constant 0 : index
      %get3A_40 = arith.constant 0 : index
      %get3A_41 = vector.load %arg9[%get3A_38, %get3A_39, %get3A_40] : memref<1x2048x768xf32, #tpu.memory_space<vmem>>, vector<1x2048x768xf32>
      %get3A_42 = vector.shape_cast %get3A_41 : vector<1x2048x768xf32> to vector<2048x768xf32>
      %dot_general3A_43 = arith.constant dense<0.000000e+00> : vector<128x768xf32>
      %dot_general3A_44 = tpu.matmul %mul3A_37, %get3A_42, %dot_general3A_43 {dimension_numbers = #tpu.dot_dimension_numbers<[1], [0], [0], [1], [0, 0, 1, 1], [], []>, transpose_lhs_hint = false} : vector<128x2048xf32>, vector<2048x768xf32>, vector<128x768xf32> -> vector<128x768xf32>
      %get3A_45 = arith.constant 0 : index
      %get3A_46 = arith.constant 0 : index
      %get3A_47 = arith.constant 0 : index
      %get3A_48 = vector.load %arg10[%get3A_45, %get3A_46, %get3A_47] : memref<1x1x768xf32, #tpu.memory_space<vmem>>, vector<1x1x768xf32>
      %get3A_49 = vector.shape_cast %get3A_48 : vector<1x1x768xf32> to vector<1x768xf32>
      %add3A_50 = vector.broadcast %get3A_49 : vector<1x768xf32> to vector<128x768xf32>
      %add3A_51 = arith.addf %dot_general3A_44, %add3A_50 : vector<128x768xf32>
      %get3A_52 = arith.constant 0 : index
      %get3A_53 = arith.constant 0 : index
      %get3A_54 = vector.load %arg11[%get3A_52, %get3A_53] : memref<128x1xf32, #tpu.memory_space<vmem>>, vector<128x1xf32>
      %mul3A_55 = vector.broadcast %get3A_54 : vector<128x1xf32> to vector<128x768xf32>
      %mul3A_56 = arith.mulf %add3A_51, %mul3A_55 : vector<128x768xf32>
      %swap3A = arith.constant 0 : index
      %swap3A_57 = arith.constant 0 : index
      %swap3A_58 = vector.load %arg12[%swap3A, %swap3A_57] : memref<128x768xf32, #tpu.memory_space<vmem>>, vector<128x768xf32>
      tpu.vector_store %arg12[%swap3A, %swap3A_57], %mul3A_56 {strides = array<i32>} : memref<128x768xf32, #tpu.memory_space<vmem>>, vector<128x768xf32>,
    } else {
    }
    return
  }
  func.func @transform_0(%arg0: i32, %arg1: memref<80xi32, #tpu.memory_space<smem>>, %arg2: memref<80xi32, #tpu.memory_space<smem>>, %arg3: memref<80xi32, #tpu.memory_space<smem>>) -> (i32, i32) {
    %get3A = arith.index_cast %arg0 : i32 to index
    %get3A_0 = memref.load %arg3[%get3A] : memref<80xi32, #tpu.memory_space<smem>>
    %c0_i32 = arith.constant 0 : i32
    %c0_i32_1 = arith.constant 0 : i32
    return %get3A_0, %c0_i32 : i32, i32
  }
  func.func @transform_1(%arg0: i32, %arg1: memref<80xi32, #tpu.memory_space<smem>>, %arg2: memref<80xi32, #tpu.memory_space<smem>>, %arg3: memref<80xi32, #tpu.memory_space<smem>>) -> (i32, i32, i32) {
    %get3A = arith.index_cast %arg0 : i32 to index
    %get3A_0 = memref.load %arg1[%get3A] : memref<80xi32, #tpu.memory_space<smem>>
    %c0_i32 = arith.constant 0 : i32
    %c0_i32_1 = arith.constant 0 : i32
    %c0_i32_2 = arith.constant 0 : i32
    return %get3A_0, %c0_i32, %c0_i32_1 : i32, i32, i32
  }
  func.func @transform_2(%arg0: i32, %arg1: memref<80xi32, #tpu.memory_space<smem>>, %arg2: memref<80xi32, #tpu.memory_space<smem>>, %arg3: memref<80xi32, #tpu.memory_space<smem>>) -> (i32, i32, i32) {
    %get3A = arith.index_cast %arg0 : i32 to index
    %get3A_0 = memref.load %arg1[%get3A] : memref<80xi32, #tpu.memory_space<smem>>
    %c0_i32 = arith.constant 0 : i32
    %c0_i32_1 = arith.constant 0 : i32
    %c0_i32_2 = arith.constant 0 : i32
    return %get3A_0, %c0_i32, %c0_i32_1 : i32, i32, i32
  }
  func.func @transform_3(%arg0: i32, %arg1: memref<80xi32, #tpu.memory_space<smem>>, %arg2: memref<80xi32, #tpu.memory_space<smem>>, %arg3: memref<80xi32, #tpu.memory_space<smem>>) -> (i32, i32, i32) {
    %get3A = arith.index_cast %arg0 : i32 to index
    %get3A_0 = memref.load %arg1[%get3A] : memref<80xi32, #tpu.memory_space<smem>>
    %c0_i32 = arith.constant 0 : i32
    %c0_i32_1 = arith.constant 0 : i32
    %c0_i32_2 = arith.constant 0 : i32
    return %get3A_0, %c0_i32, %c0_i32_1 : i32, i32, i32
  }
  func.func @transform_4(%arg0: i32, %arg1: memref<80xi32, #tpu.memory_space<smem>>, %arg2: memref<80xi32, #tpu.memory_space<smem>>, %arg3: memref<80xi32, #tpu.memory_space<smem>>) -> (i32, i32, i32) {
    %get3A = arith.index_cast %arg0 : i32 to index
    %get3A_0 = memref.load %arg1[%get3A] : memref<80xi32, #tpu.memory_space<smem>>
    %c0_i32 = arith.constant 0 : i32
    %c0_i32_1 = arith.constant 0 : i32
    %c0_i32_2 = arith.constant 0 : i32
    return %get3A_0, %c0_i32, %c0_i32_1 : i32, i32, i32
  }
  func.func @transform_5(%arg0: i32, %arg1: memref<80xi32, #tpu.memory_space<smem>>, %arg2: memref<80xi32, #tpu.memory_space<smem>>, %arg3: memref<80xi32, #tpu.memory_space<smem>>) -> (i32, i32, i32) {
    %get3A = arith.index_cast %arg0 : i32 to index
    %get3A_0 = memref.load %arg1[%get3A] : memref<80xi32, #tpu.memory_space<smem>>
    %c0_i32 = arith.constant 0 : i32
    %c0_i32_1 = arith.constant 0 : i32
    %c0_i32_2 = arith.constant 0 : i32
    return %get3A_0, %c0_i32, %c0_i32_1 : i32, i32, i32
  }
  func.func @transform_6(%arg0: i32, %arg1: memref<80xi32, #tpu.memory_space<smem>>, %arg2: memref<80xi32, #tpu.memory_space<smem>>, %arg3: memref<80xi32, #tpu.memory_space<smem>>) -> (i32, i32, i32) {
    %get3A = arith.index_cast %arg0 : i32 to index
    %get3A_0 = memref.load %arg1[%get3A] : memref<80xi32, #tpu.memory_space<smem>>
    %c0_i32 = arith.constant 0 : i32
    %c0_i32_1 = arith.constant 0 : i32
    %c0_i32_2 = arith.constant 0 : i32
    return %get3A_0, %c0_i32, %c0_i32_1 : i32, i32, i32
  }
  func.func @transform_7(%arg0: i32, %arg1: memref<80xi32, #tpu.memory_space<smem>>, %arg2: memref<80xi32, #tpu.memory_space<smem>>, %arg3: memref<80xi32, #tpu.memory_space<smem>>) -> (i32, i32) {
    %get3A = arith.index_cast %arg0 : i32 to index
    %get3A_0 = memref.load %arg3[%get3A] : memref<80xi32, #tpu.memory_space<smem>>
    %c0_i32 = arith.constant 0 : i32
    %c0_i32_1 = arith.constant 0 : i32
    return %get3A_0, %c0_i32 : i32, i32
  }
  func.func @transform_8(%arg0: i32, %arg1: memref<80xi32, #tpu.memory_space<smem>>, %arg2: memref<80xi32, #tpu.memory_space<smem>>, %arg3: memref<80xi32, #tpu.memory_space<smem>>) -> (i32, i32) {
    %get3A = arith.index_cast %arg0 : i32 to index
    %get3A_0 = memref.load %arg3[%get3A] : memref<80xi32, #tpu.memory_space<smem>>
    %c0_i32 = arith.constant 0 : i32
    %c0_i32_1 = arith.constant 0 : i32
    return %get3A_0, %c0_i32 : i32, i32
  }
}

</mosaic_0001>

<sc_bundles>
// kernel: kernel.6.cloned.1.call-start
scs
__scs_entry_jumppad:
0x0: {  	(pc) =	sbr.rel $0x88, $3  }
0x1: {  	(tag) =	ssettag $0x0;
	lr =	simm.s32 $0x1  }
0x2: {  	[smem:$0x3F98] =	sst lr;
	_ =	strace $0xD0000000  }
0x3: {  	_ = 	snop  }
0x4: {  	_ = 	snop  }
0x5: {  	_ = 	snop  }
0x6: {  	_ = 	snop  }
0x7: {  	_ = 	snop  }
__scs_overlays_trampoline_lowered:
0x8: {  	[smem:$0x3FA7] =	sst s0  }
0x9: {  	[smem:$0x3FA8] =	sst s1  }
0xa: {  	[smem:$0x3FA9] =	sst s2  }
0xb: {  	[smem:$0x3FAA] =	sst s3  }
0xc: {  	[smem:$0x3FAB] =	sst s4  }
0xd: {  	[smem:$0x3FAC] =	sst s5  }
0xe: {  	[smem:$0x3FAD] =	sst s6  }
0xf: {  	[smem:$0x3FAE] =	sst s7  }
0x10: {  	[smem:$0x3FAF] =	sst s8  }
0x11: {  	[smem:$0x3FB0] =	sst s9;
	s0 =	simm.s32 @!p0 $0x0  }
0x12: {  	s1 =	sld [smem:$0x3F96];
	s0 =	simm.s32 @p0 $0x1  }
0x13: {  	[smem:$0x3FB1] =	sst s0;
	s0 =	simm.s32 @!p1 $0x0  }
0x14: {  	s2 =	sld [smem:$0x3F95];
	s0 =	simm.s32 @p1 $0x1  }
0x15: {  	[smem:$0x3FB2] =	sst s0;
	s0 =	simm.s32 @!p2 $0x0  }
0x16: {  	s3 =	sld [smem:$0x3FDB];
	s0 =	simm.s32 @p2 $0x1  }
0x17: {  	s4 =	simm.s32 $0x1BF5;
	[smem:$0x3FB4] =	sst s0  }
0x18: {  	s0 =	sld [smem:$0x3F97];
	_ =	swait.ge [sflag:s4], $0x0  }
0x19: {  	s7 =	sld [smem:$0x3F98]  }
0x1a: {  	s8 =	sadd.s32 $0xFFFFE003, lr  }
0x1b: {  	s9 =	sadd.s32 $0xFFFFFEF7, lr;
	s5 =	simm.s32 $0xFFFFFFFF;
	p2 =	slt.u32 s8, $0xFFFFF086  }
0x1c: {  	p1 =	slt.u32 s9, $0xF7A;
	s5 =	simm.s32 @!p2 $0x0  }
0x1d: {  	s5 =	simm.s32 @p1 $0x1;
	p0 =	seq.s32 s7, s2  }
0x1e: {  	s7 =	smul.u32 @!p0 $0xF7A, s2;
	p2 =	seq.s32 @!p0 s5, $0x0  }
0x1f: {  	s9 =	smul.u32 $0xF7A, s1;
	s8 =	simm.s32 @!p0 $0x1BF5;
	p2 =	por !p2, p0  }
0x20: {  	[sflag:s8] =	ssyncset.s32 @!p0 $0xFFFFF086;
	s6 =	sadd.s32 @!p0 s3, s7;
	s7 =	simm.s32 @!p0 $0x108  }
0x21: {  	s3 =	sadd.s32 s3, s9;
	s6 =	sadd.s32 @!p0 $0x88, s6;
	s7 =	simm.s32 @p2 $0x1082  }
0x22: {  	[simem:s7], [sflag:s8] =	dma.local @!p0 [hbm:s6], $0xF7A  }
0x23: {  	s9 =	sor.u32 $0xD0000000, s2;
	s6 =	simm.s32 $0x108;
	_ =	swait.ge @!p0 [sflag:s8], $0x0  }
0x24: {  	s3 =	sadd.s32 $0x88, s3;
	s6 =	simm.s32 @!p1 $0x1082;
	[sflag:s4] =	ssyncset.s32 $0xFFFFF086  }
0x25: {  	[simem:s6], [sflag:s4] =	dma.local [hbm:s3], $0xF7A  }
0x26: {  	[smem:$0x3F98] =	sst s1;
	(tag) =	ssettag s2;
	_ =	strace s9  }
0x27: {  	s1 =	sld [smem:$0x3FA8]  }
0x28: {  	s2 =	sld [smem:$0x3FA9]  }
0x29: {  	s4 =	sld [smem:$0x3FAB]  }
0x2a: {  	p0 =	seq.s32 s5, $0x0;
	s5 =	sld [smem:$0x3FAC]  }
0x2b: {  	s6 =	sld [smem:$0x3FAD]  }
0x2c: {  	s7 =	sld [smem:$0x3FAE]  }
0x2d: {  	s3 =	simm.s32 $0x108;
	s8 =	sld [smem:$0x3FAF]  }
0x2e: {  	s3 =	simm.s32 @!p0 $0x1082;
	s9 =	sld [smem:$0x3FB0]  }
0x2f: {  	lr =	sadd.s32 s0, s3;
	s0 =	sld [smem:$0x3FA7]  }
0x30: {  	s3 =	sld [smem:$0x3FAA]  }
0x31: {  	[smem:$0x3FB3] =	sst s10  }
0x32: {  	s10 =	sld [smem:$0x3FB1];
	_ =	sdelay $0x3  }
0x33: {  	p0 =	seq.s32 s10, $0x1;
	s10 =	sld [smem:$0x3FB3];
	_ =	sdelay $0x3  }
0x34: {  	[smem:$0x3FB3] =	sst s10  }
0x35: {  	s10 =	sld [smem:$0x3FB2];
	_ =	sdelay $0x3  }
0x36: {  	p1 =	seq.s32 s10, $0x1;
	s10 =	sld [smem:$0x3FB3];
	_ =	sdelay $0x3  }
0x37: {  	[smem:$0x3FB3] =	sst s10  }
0x38: {  	s10 =	sld [smem:$0x3FB4]  }
0x39: {  	_ = 	snop;
	(pc) =	sbr.ind lr, $3  }
0x3a: {  	_ = 	snop  }
0x3b: {  	_ = 	snop  }
0x3c: {  	p2 =	seq.s32 s10, $0x1;
	s10 =	sld [smem:$0x3FB3]  }
0x3d: {  	_ =	shalt  }
0x3e: {  	_ =	shalt  }
0x3f: {  	_ =	shalt  }
0x40: {  	_ =	shalt  }
0x41: {  	_ =	shalt  }
0x42: {  	_ =	shalt  }
0x43: {  	_ =	shalt  }
0x44: {  	_ =	shalt  }
0x45: {  	_ =	shalt  }
0x46: {  	_ =	shalt  }
0x47: {  	_ =	shalt  }
0x48: {  	_ =	shalt  }
0x49: {  	_ =	shalt  }
0x4a: {  	_ =	shalt  }
0x4b: {  	_ =	shalt  }
0x4c: {  	_ =	shalt  }
0x4d: {  	_ =	shalt  }
0x4e: {  	_ =	shalt  }
0x4f: {  	_ =	shalt  }
0x50: {  	_ =	shalt  }
0x51: {  	_ =	shalt  }
0x52: {  	_ =	shalt  }
0x53: {  	_ =	shalt  }
0x54: {  	_ =	shalt  }
0x55: {  	_ =	shalt  }
0x56: {  	_ =	shalt  }
0x57: {  	_ =	shalt  }
0x58: {  	_ =	shalt  }
0x59: {  	_ =	shalt  }
0x5a: {  	_ =	shalt  }
0x5b: {  	_ =	shalt  }
0x5c: {  	_ =	shalt  }
0x5d: {  	_ =	shalt  }
0x5e: {  	_ =	shalt  }
0x5f: {  	_ =	shalt  }
0x60: {  	_ =	shalt  }
0x61: {  	_ =	shalt  }
0x62: {  	_ =	shalt  }
0x63: {  	_ =	shalt  }
0x64: {  	_ =	shalt  }
0x65: {  	_ =	shalt  }
0x66: {  	_ =	shalt  }
0x67: {  	_ =	shalt  }
0x68: {  	_ =	shalt  }
0x69: {  	_ =	shalt  }
0x6a: {  	_ =	shalt  }
0x6b: {  	_ =	shalt  }
0x6c: {  	_ =	shalt  }
0x6d: {  	_ =	shalt  }
0x6e: {  	_ =	shalt  }
0x6f: {  	_ =	shalt  }
0x70: {  	_ =	shalt  }
0x71: {  	_ =	shalt  }
0x72: {  	_ =	shalt  }
0x73: {  	_ =	shalt  }
0x74: {  	_ =	shalt  }
0x75: {  	_ =	shalt  }
0x76: {  	_ =	shalt  }
0x77: {  	_ =	shalt  }
0x78: {  	_ =	shalt  }
0x79: {  	_ =	shalt  }
0x7a: {  	_ =	shalt  }
0x7b: {  	_ =	shalt  }
0x7c: {  	_ =	shalt  }
0x7d: {  	_ =	shalt  }
0x7e: {  	_ =	shalt  }
0x7f: {  	_ =	shalt  }
0x80: {  	_ =	shalt  }
0x81: {  	_ =	shalt  }
0x82: {  	_ =	shalt  }
0x83: {  	_ =	shalt  }
0x84: {  	_ =	shalt  }
0x85: {  	_ =	shalt  }
0x86: {  	_ =	shalt  }
0x87: {  	_ =	shalt  }
.Lfunc_end0:
.L_simem_size_0:
called_computation_lowered:
.L_overlay_start_0:
0x88: {  	s2 =	sld [smem:$0x3FD9]  }
0x89: {  	s3 =	sld [smem:$0x3FFE];
	_ =	sdelay $0x1  }
0x8a: {  	s1 =	srdreg.scid  }
0x8b: {  	s0 =	sand.u32 $0x1, s1  }
0x8c: {  	s14 =	sshll.u32 s0, $0xA;
	s2 =	sadd.s32 s3, s2  }
0x8d: {  	s2 =	sadd.s32 s2, s14  }
0x8e: {  	[smem:$0x3FBF] =	sst s2  }
0x8f: {  	_ = 	snop  }
0x90: {  	s2 =	sld [smem:$0x3FD0];
	_ =	sdelay $0x2  }
0x91: {  	s4 =	simm.s32 $0xA;
	s5 =	simm.s32 $0x10;
	s15 =	sld [smem:$0x3FC9]  }
0x92: {  	[smem:s5], [sflag:s4] =	dma.local [hbm:s2], $0x1  }
0x93: {  	_ =	swait.eq [sflag:s4], $0x1  }
0x94: {  	[sflag:s4] =	ssyncset.done $0x0  }
0x95: {  	[sflag:s4] =	ssyncadd.s32 $0xFFFFFFFF  }
0x96: {  	s16 =	sld [smem:$0x10];
	(tm) =	ssettm $0x1  }
0x97: {  	s17 =	sld [smem:$0x3FFB];
	_ =	sdelay $0x3  }
0x98: {  	_ =	strace s17  }
0x99: {  	s4 =	sld [smem:$0x3FFC];
	_ =	sdelay $0x3  }
0x9a: {  	_ =	strace s4  }
0x9b: {  	s4 =	sld [smem:$0x3FFD];
	_ =	sdelay $0x3  }
0x9c: {  	_ =	strace s4  }
0x9d: {  	_ =	strace $0x8FFFFFFF  }
0x9e: {  	s18 =	sld [smem:$0x3FDB];
	_ =	sdelay $0x1  }
0x9f: {  	s19 =	simm.s32 $_scs_section_size  }
0xa0: {  	s6 =	simm.s32 $_size__tile_overlayer_lowered;
	s7 =	simm.s32 $_tile_overlayer_lowered  }
0xa1: {  	s22 =	simm.s32 $0x1BFF;
	s21 =	sshll.u32 s7, $0x1;
	s4 =	sadd.s32 s19, s18  }
0xa2: {  	s8 =	simm.s32 $0x0;
	s20 =	sshll.u32 s6, $0x1;
	s6 =	sadd.s32 s21, s4  }
0xa3: {  	[timem:s8], [sflag:s22] =	dma.local [hbm:s6], s20  }
0xa4: {  	_ =	swait.ge [sflag:s22], s20  }
0xa5: {  	s5 =	ssub.s32 $0x0, s20;
	[sflag:s22] =	ssyncset.done $0x0  }
0xa6: {  	[sflag:s22] =	ssyncadd.s32 s5;
	_ =	sdelay $0x1  }
0xa7: {  	s23 =	simm.s32 $0x1B8B  }
0xa8: {  	_ =	swait.ge [sflag:s23], $0x1  }
0xa9: {  	[sflag:s23] =	ssyncset.done $0x0  }
0xaa: {  	s25 =	simm.s32 $0x1B8E;
	s24 =	sld [smem:$0x3FFE];
	[sflag:s23] =	ssyncadd.s32 $0xFFFFFFFF  }
0xab: {  	s26 =	simm.s32 $execute0_lowered;
	[smem:$0x3FD2] =	sst s25  }
0xac: {  	s6 =	sshll.u32 s26, $0x1;
	_ =	strace $0x80000046;
	[dreg:$0x1] =	wrdreg $0xFFFFFFFF  }
0xad: {  	s28 =	simm.s32 $_size_execute0_lowered;
	s4 =	sadd.s32 s4, s6;
	[dreg:$0x0] =	wrdreg $0x0  }
0xae: {  	s6 =	sshll.u32 s28, $0x1;
	[dreg:$0x2] =	wrdreg s4  }
0xaf: {  	[dreg:$0x3] =	wrdreg s6  }
0xb0: {  	[dreg:$0x4] =	wrdreg $0xC0  }
0xb1: {  	_ =	task [dreg:s8], $0x5FFFF  }
0xb2: {  	[dreg:$0x1] =	wrdreg $0xFFFFFFFF  }
0xb3: {  	[dreg:$0x0] =	wrdreg $0x60  }
0xb4: {  	[dreg:$0x2] =	wrdreg s15  }
0xb5: {  	[dreg:$0x3] =	wrdreg s24  }
0xb6: {  	[dreg:$0x4] =	wrdreg s16  }
0xb7: {  	[dreg:$0x5] =	wrdreg $0x9  }
0xb8: {  	_ =	task.clear_ibuf [dreg:s8], $0x6FFFF;
	_ =	strace $0x90000046  }
0xb9: {  	s29 =	simm.s32 $0x9;
	_ =	strace $0x80000048  }
0xba: {  	_ =	swait.ge [sflag:s29], $0x1  }
0xbb: {  	[sflag:s29] =	ssyncadd.s32 $0xFFFFFFFF  }
0xbc: {  	_ =	strace $0x90000048  }
0xbd: {  	_ =	sfence  }
0xbe: {  	s30 =	sld [smem:$0x0];
	_ =	sdelay $0x2  }
0xbf: {  	s31 =	sshll.u32 s1, $0xD;
	s1 =	sshrl.u32 s1, $0x2  }
0xc0: {  	s3 =	sand.u32 $0x4000, s31;
	s1 =	sadd.s32 s1, s30  }
0xc1: {  	s0 =	sor.u32 s3, s0;
	s1 =	sshll.u32 s1, $0x11  }
0xc2: {  	s0 =	sor.u32 s1, s0  }
0xc3: {  	s0 =	sadd.s32 $0x8F2B, s0  }
0xc4: {  	[sflag:s0] =	ssyncadd.remote.s32 $0x1  }
0xc5: {  	_ =	sfence.sel $0xFFFF  }
0xc6: {  	[dreg:$0x0] =	wrdreg $0xFFFFFFFF;
	(pc) =	sbr.abs _section_cstart, $3  }
0xc7: {  	[dreg:$0x1] =	wrdreg $0xFFFFFFFF  }
0xc8: {  	_ =	task.clear_ibuf [dreg:s8], $0x2FFFF;
	_ =	strace $0x9FFFFFFF  }
0xc9: {  	(tm) =	ssettm $0x7FFFFFFF  }
tec
execute0_lowered:
.L_overlay_start_1:
0x0: {  	(tag) =	ssettag $0x1  }
0x1: {  	s0 =	rddreg [dreg:$0x0]  }
0x2: {  	s10 =	rddreg [dreg:$0x1];
	s4 =	simm.s32 $0x0  }
0x3: {  	s1 =	srdreg.scid;
	s2 =	stileid.u32;
	s12 =	simm.s32 $0x3  }
0x4: {  	s13 =	simm.s32 $0x80;
	s19 =	simm.s32 $0x880;
	s20 =	simm.s32 $0x1080  }
0x5: {  	s22 =	simm.s32 $0x4880;
	s23 =	simm.s32 $0x5080;
	s24 =	simm.s32 $0x5880  }
0x6: {  	s25 =	simm.s32 $0x6080;
	s28 =	simm.s32 $0x7080;
	s29 =	simm.s32 $0x7880  }
0x7: {  	s30 =	simm.s32 $0x8080;
	s31 =	simm.s32 $0x8880;
	s14 =	simm.s32 $0xB880  }
0x8: {  	s15 =	simm.s32 $0xD080;
	s16 =	simm.s32 $0x2;
	s17 =	simm.s32 $0x1  }
0x9: {  	s18 =	simm.s32 $0x0;
	[smem:$0x7FF] =	sst s4;
	s1 =	sand.u32 $0x1, s1  }
0xa: {  	s2 =	sshll.u32 s2, $0x1;
	s5 =	sadd.s32 $0xC200, s10;
	s7 =	sadd.s32 $0x200, s10  }
0xb: {  	s9 =	sadd.s32 $0xC300, s10;
	s3 =	ssub.s32 $0x2, s1;
	s1 =	sor.u32 s1, s2  }
0xc: {  	_ =	strace $0x80000047;
	[dreg:$0x4] =	wrdreg s7;
	s8 =	smul.u32 $0x1800, s1  }
.Ltmp0:
0xd: {  	s26 =	sshrl.u32 s3, $0x1;
	s6 =	sshll.u32 s1, $0x3;
	(pc) =	sbr.rel .LBB2_1-.Ltmp0, $4  }
0xe: {  	p0 =	sne.s32 s1, $0x0;
	s1 =	simm.s32 $0xA880;
	s2 =	ssub.s32 s3, s26  }
0xf: {  	v2 =	vlaneseq.u32;
	s7 =	sadd.s32 s10, s6;
	s10 =	sadd.s32 $0xC400, s10;
	s26 =	simm.s32 $0x6880  }
0x10: {  	vm0 =	vmmov $0xffff;
	v1 =	vshrl.u32 v2, $0x3;
	s3 =	simm.s32 $0x9880;
	s6 =	simm.s32 $0xB080;
	s8 =	sadd.s32 s0, s8  }
0x11: {  	v0 =	vand.u32 $0x7, v2;
	v2 =	vor.u32 $0x8, v2;
	v1 =	vmul.u32 $0x8, v1;
	s11 =	smax.u32 s2, $0x1;
	s0 =	simm.s32 $0x9080;
	s2 =	simm.s32 $0xA080  }
.LBB2_5:
0x12: {  	s18 =	sadd.s32 $0x1, s18  }
0x13: {  	p1 =	sne.s32 s18, s11  }
.Ltmp1:
0x14: {  	_ = 	snop;
	(pc) =	sbr.rel @!p1 .LBB2_6-.Ltmp1, $4  }
0x15: {  	_ = 	snop  }
0x16: {  	_ =	swait.ge [sflag:s17], $0xC000  }
0x17: {  	[sflag:s17] =	ssyncset.done $0x0  }
0x18: {  	[sflag:s17] =	ssyncadd.s32 $0xFFFF4000  }
.LBB2_1:
0x19: {  	[tilespmem:s4], [sflag:$0x3] =	stream.linear.gather [hbm4b:s7+s4], $0x40, $0x38;
	[tilespmem:$0xF880] =	vst v63  }
0x1a: {  	_ =	swait.ge [sflag:s12], $0x40  }
0x1b: {  	[sflag:s12] =	ssyncset.done $0x0  }
0x1c: {  	[sflag:s12] =	ssyncadd.s32 $0xFFFFFFC0  }
0x1d: {  	[tilespmem:s13], [sflag:$0x3] =	stream.linear.gather [hbm4b:s8+s4], $0xC000, $0x38;
	[tilespmem:$0xF880] =	vst v63  }
0x1e: {  	_ =	swait.ge [sflag:s12], $0xC000  }
0x1f: {  	[sflag:s12] =	ssyncset.done $0x0  }
0x20: {  	[sflag:s12] =	ssyncadd.s32 $0xFFFF4000  }
0x21: {  	v3 =	vld [tilespmem:$0x0];
	_ =	sdelay $0x4  }
0x22: {  	v4 =	vshrl.u32 v3, $0x3  }
0x23: {  	v4 =	vmul.u32 $0x30, v4  }
0x24: {  	v3 =	vand.u32 $0x7, v3  }
0x25: {  	v3 =	vor.u32 v3, v4  }
0x26: {  	v4 =	vperm.xlane v3, v0;
	_ =	sdelay $0x1  }
0x27: {  	v4 =	vadd.s32 v1, v4;
	_ =	sdelay $0x3  }
0x28: {  	v3 =	vperm.xlane v3, v2  }
0x29: {  	[hbm4b:s5+s4] =	stream.indirect_vreg.scatter [tilespmem:s13], [sflag:$0x1], $0x80, v4, vm0, $0xb8;
	[tilespmem:$0xF880] =	vst v63  }
0x2a: {  	v3 =	vadd.s32 v1, v3  }
0x2b: {  	[hbm4b:s9+s4] =	stream.indirect_vreg.scatter [tilespmem:s19], [sflag:$0x1], $0x80, v4, vm0, $0xb8;
	[tilespmem:$0xF880] =	vst v63  }
0x2c: {  	_ = 	snop  }
0x2d: {  	[hbm4b:s10+s4] =	stream.indirect_vreg.scatter [tilespmem:s20], [sflag:$0x1], $0x80, v4, vm0, $0xb8;
	[tilespmem:$0xF880] =	vst v63  }
0x2e: {  	s21 =	simm.s32 $0x1880  }
0x2f: {  	[hbm4b:s5+s4] =	stream.indirect_vreg.scatter [tilespmem:s21], [sflag:$0x1], $0x80, v3, vm0, $0xb8;
	[tilespmem:$0xF880] =	vst v63  }
0x30: {  	s21 =	simm.s32 $0x2080  }
0x31: {  	[hbm4b:s9+s4] =	stream.indirect_vreg.scatter [tilespmem:s21], [sflag:$0x1], $0x80, v3, vm0, $0xb8;
	[tilespmem:$0xF880] =	vst v63  }
0x32: {  	s21 =	simm.s32 $0x2880  }
0x33: {  	[hbm4b:s10+s4] =	stream.indirect_vreg.scatter [tilespmem:s21], [sflag:$0x1], $0x80, v3, vm0, $0xb8;
	[tilespmem:$0xF880] =	vst v63  }
0x34: {  	v3 =	vld [tilespmem:$0x10];
	_ =	sdelay $0x4  }
0x35: {  	v61 =	vshrl.u32 v3, $0x3  }
0x36: {  	v4 =	vmul.u32 $0x30, v61  }
0x37: {  	v3 =	vand.u32 $0x7, v3  }
0x38: {  	v3 =	vor.u32 v3, v4  }
0x39: {  	v4 =	vperm.xlane v3, v0;
	_ =	sdelay $0x1  }
0x3a: {  	v4 =	vadd.s32 v1, v4;
	_ =	sdelay $0x3  }
0x3b: {  	s21 =	simm.s32 $0x3080;
	v3 =	vperm.xlane v3, v2  }
0x3c: {  	[hbm4b:s5+s4] =	stream.indirect_vreg.scatter [tilespmem:s21], [sflag:$0x1], $0x80, v4, vm0, $0xb8;
	[tilespmem:$0xF880] =	vst v63  }
0x3d: {  	v3 =	vadd.s32 v1, v3;
	s21 =	simm.s32 $0x3880  }
0x3e: {  	[hbm4b:s9+s4] =	stream.indirect_vreg.scatter [tilespmem:s21], [sflag:$0x1], $0x80, v4, vm0, $0xb8;
	[tilespmem:$0xF880] =	vst v63  }
0x3f: {  	s21 =	simm.s32 $0x4080  }
0x40: {  	[hbm4b:s10+s4] =	stream.indirect_vreg.scatter [tilespmem:s21], [sflag:$0x1], $0x80, v4, vm0, $0xb8;
	[tilespmem:$0xF880] =	vst v63  }
0x41: {  	_ = 	snop  }
0x42: {  	[hbm4b:s5+s4] =	stream.indirect_vreg.scatter [tilespmem:s22], [sflag:$0x1], $0x80, v3, vm0, $0xb8;
	[tilespmem:$0xF880] =	vst v63  }
0x43: {  	_ = 	snop  }
0x44: {  	[hbm4b:s9+s4] =	stream.indirect_vreg.scatter [tilespmem:s23], [sflag:$0x1], $0x80, v3, vm0, $0xb8;
	[tilespmem:$0xF880] =	vst v63  }
0x45: {  	_ = 	snop  }
0x46: {  	[hbm4b:s10+s4] =	stream.indirect_vreg.scatter [tilespmem:s24], [sflag:$0x1], $0x80, v3, vm0, $0xb8;
	[tilespmem:$0xF880] =	vst v63  }
0x47: {  	v3 =	vld [tilespmem:$0x20];
	_ =	sdelay $0x4  }
0x48: {  	v62 =	vshrl.u32 v3, $0x3  }
0x49: {  	v4 =	vmul.u32 $0x30, v62  }
0x4a: {  	v3 =	vand.u32 $0x7, v3  }
0x4b: {  	v3 =	vor.u32 v3, v4  }
0x4c: {  	v4 =	vperm.xlane v3, v0;
	_ =	sdelay $0x1  }
0x4d: {  	v4 =	vadd.s32 v1, v4;
	_ =	sdelay $0x3  }
0x4e: {  	v3 =	vperm.xlane v3, v2  }
0x4f: {  	[hbm4b:s5+s4] =	stream.indirect_vreg.scatter [tilespmem:s25], [sflag:$0x1], $0x80, v4, vm0, $0xb8;
	[tilespmem:$0xF880] =	vst v63  }
0x50: {  	v3 =	vadd.s32 v1, v3  }
0x51: {  	[hbm4b:s9+s4] =	stream.indirect_vreg.scatter [tilespmem:s26], [sflag:$0x1], $0x80, v4, vm0, $0xb8;
	[tilespmem:$0xF880] =	vst v63  }
0x52: {  	_ = 	snop  }
0x53: {  	[hbm4b:s10+s4] =	stream.indirect_vreg.scatter [tilespmem:s28], [sflag:$0x1], $0x80, v4, vm0, $0xb8;
	[tilespmem:$0xF880] =	vst v63  }
0x54: {  	_ = 	snop  }
0x55: {  	[hbm4b:s5+s4] =	stream.indirect_vreg.scatter [tilespmem:s29], [sflag:$0x1], $0x80, v3, vm0, $0xb8;
	[tilespmem:$0xF880] =	vst v63  }
0x56: {  	_ = 	snop  }
0x57: {  	[hbm4b:s9+s4] =	stream.indirect_vreg.scatter [tilespmem:s30], [sflag:$0x1], $0x80, v3, vm0, $0xb8;
	[tilespmem:$0xF880] =	vst v63  }
0x58: {  	_ = 	snop  }
0x59: {  	[hbm4b:s10+s4] =	stream.indirect_vreg.scatter [tilespmem:s31], [sflag:$0x1], $0x80, v3, vm0, $0xb8;
	[tilespmem:$0xF880] =	vst v63  }
0x5a: {  	v3 =	vld [tilespmem:$0x30];
	_ =	sdelay $0x4  }
0x5b: {  	v63 =	vshrl.u32 v3, $0x3  }
0x5c: {  	v4 =	vmul.u32 $0x30, v63  }
0x5d: {  	v3 =	vand.u32 $0x7, v3  }
0x5e: {  	v3 =	vor.u32 v3, v4  }
0x5f: {  	v4 =	vperm.xlane v3, v0;
	_ =	sdelay $0x1  }
0x60: {  	v4 =	vadd.s32 v1, v4;
	_ =	sdelay $0x3  }
0x61: {  	v3 =	vperm.xlane v3, v2  }
0x62: {  	[hbm4b:s5+s4] =	stream.indirect_vreg.scatter [tilespmem:s0], [sflag:$0x1], $0x80, v4, vm0, $0xb8;
	[tilespmem:$0xF880] =	vst v63  }
0x63: {  	v3 =	vadd.s32 v1, v3  }
0x64: {  	[hbm4b:s9+s4] =	stream.indirect_vreg.scatter [tilespmem:s3], [sflag:$0x1], $0x80, v4, vm0, $0xb8;
	[tilespmem:$0xF880] =	vst v63  }
0x65: {  	_ = 	snop  }
0x66: {  	[hbm4b:s10+s4] =	stream.indirect_vreg.scatter [tilespmem:s2], [sflag:$0x1], $0x80, v4, vm0, $0xb8;
	[tilespmem:$0xF880] =	vst v63  }
0x67: {  	_ = 	snop  }
0x68: {  	[hbm4b:s5+s4] =	stream.indirect_vreg.scatter [tilespmem:s1], [sflag:$0x1], $0x80, v3, vm0, $0xb8;
	[tilespmem:$0xF880] =	vst v63  }
.Ltmp2:
0x69: {  	_ = 	snop;
	(pc) =	sbr.rel @p0 .LBB2_5-.Ltmp2, $4  }
0x6a: {  	_ = 	snop  }
0x6b: {  	[hbm4b:s9+s4] =	stream.indirect_vreg.scatter [tilespmem:s6], [sflag:$0x1], $0x80, v3, vm0, $0xb8;
	[tilespmem:$0xF880] =	vst v63  }
0x6c: {  	_ = 	snop  }
0x6d: {  	[hbm4b:s10+s4] =	stream.indirect_vreg.scatter [tilespmem:s14], [sflag:$0x1], $0x80, v3, vm0, $0xb8;
	[tilespmem:$0xF880] =	vst v63  }
0x6e: {  	s19 =	simm.s32 $0x0;
	s20 =	rddreg [dreg:$0x1];
	s21 =	simm.s32 $0xC080  }
0x6f: {  	[tilespmem:s21], [sflag:$0x3] =	stream.linear.gather [hbm4b:s20+s19], $0x800, $0x38;
	[tilespmem:$0xF880] =	vst v63  }
0x70: {  	_ =	swait.ge [sflag:s12], $0x800  }
0x71: {  	[sflag:s12] =	ssyncset.done $0x0  }
0x72: {  	[sflag:s12] =	ssyncadd.s32 $0xFFFFF800  }
0x73: {  	s21 =	simm.s32 $0xC880;
	s20 =	rddreg [dreg:$0x2]  }
0x74: {  	[tilespmem:s21], [sflag:$0x3] =	stream.linear.gather [hbm4b:s20+s19], $0x800, $0x38;
	[tilespmem:$0xF880] =	vst v63  }
0x75: {  	_ =	swait.ge [sflag:s12], $0x800  }
0x76: {  	[sflag:s12] =	ssyncset.done $0x0  }
0x77: {  	s20 =	simm.s32 $0x0;
	s19 =	simm.s32 $0x40;
	[sflag:s12] =	ssyncadd.s32 $0xFFFFF800  }
.LBB2_3:
0x78: {  	p1 =	sne.s32 s19, $0x1FC0;
	v3 =	vld [tilespmem:s20+$0xC080];
	_ =	sdelay $0x2  }
0x79: {  	v4 =	vld [tilespmem:s20+$0xC880]  }
.Ltmp3:
0x7a: {  	(pc) =	sbr.rel @p1 .LBB2_3-.Ltmp3, $2  }
0x7b: {  	_ =	sdelay $0x2  }
0x7c: {  	s20 =	sshra.s32 s19, $0x2;
	s19 =	sadd.s32 $0x40, s19;
	[tilespmem:v3+s15+$0x0] =	vst.idx.msk $0xffff, v4  }
0x7d: {  	v3 =	vld [tilespmem:s20+$0xC080];
	_ =	sdelay $0x2  }
0x7e: {  	v4 =	vld [tilespmem:s20+$0xC880];
	_ =	sdelay $0x4  }
.Ltmp4:
0x7f: {  	s19 =	rddreg [dreg:$0x4];
	[tilespmem:v3+s15+$0x0] =	vst.idx.msk $0xffff, v4;
	(pc) =	sbr.rel .LBB2_5-.Ltmp4, $4  }
0x80: {  	[hbm4b:s19+s4] =	stream.linear.scatter [tilespmem:s15], [sflag:$0x2], $0x2800, $0x38;
	[tilespmem:$0xF880] =	vst v63  }
0x81: {  	_ =	swait.ge [sflag:s16], $0x2800  }
0x82: {  	[sflag:s16] =	ssyncset.done $0x0  }
0x83: {  	s20 =	simm.s32 $0x1080;
	s19 =	simm.s32 $0x880;
	[sflag:s16] =	ssyncadd.s32 $0xFFFFD800  }
.LBB2_6:
0x84: {  	_ =	sfence.sel $0x180000  }
0x85: {  	[bflag:$0x0] =	sbarrier.arrive $0xFFFF  }
0x86: {  	_ =	strace $0x90000047  }
0x87: {  	s0 =	stileid.u32;
	[bflag:$0x2] =	sbarrier.arrive $0xFFFF  }
0x88: {  	p0 =	sne.s32 s0, $0x0;
	s0 =	rddreg [dreg:$0x3]  }
0x89: {  	s0 =	sadd.s32 @!p0 $0x100000, s0  }
0x8a: {  	[sflag:s0] =	ssyncadd.tile.s32 @!p0 $0x1;
	_ =	shalt  }
.Lfunc_end2:
_tile_overlayer_lowered:
.L_overlay_start_2:
0x8b: {  	(tag) =	ssettag $0x2  }
0x8c: {  	s0 =	rddreg [dreg:$0x0];
	s2 =	stileid.u32  }
0x8d: {  	s1 =	rddreg [dreg:$0x1];
	p0 =	sne.s32 s2, $0x0  }
0x8e: {  	s3 =	rddreg [dreg:$0x2];
	[bflag:$0x3] =	sbarrier.arrive $0xFFFF;
	s2 =	simm.s32 @!p0 $0x1C03  }
0x8f: {  	[timem:s3], [sflag:s2] =	dma.local @!p0 [hbm:s0], s1  }
0x90: {  	s0 =	simm.s32 @!p0 $0x3  }
0x91: {  	_ =	swait.ge @!p0 [sflag:s0], s1  }
0x92: {  	s1 =	ssub.s32 @!p0 $0x0, s1;
	[sflag:s0] =	ssyncset.done @!p0 $0x0  }
0x93: {  	[sflag:s0] =	ssyncadd.s32 @!p0 s1  }
0x94: {  	[bflag:$0x3] =	sbarrier.arrive $0xFFFF  }
0x95: {  	_ =	shalt  }

// kernel: kernel.9.cloned.1.call-start
scs
__scs_entry_jumppad:
0x0: {  	(pc) =	sbr.rel $0x88, $3  }
0x1: {  	(tag) =	ssettag $0x0;
	lr =	simm.s32 $0x1  }
0x2: {  	[smem:$0x3F98] =	sst lr;
	_ =	strace $0xD0000000  }
0x3: {  	_ = 	snop  }
0x4: {  	_ = 	snop  }
0x5: {  	_ = 	snop  }
0x6: {  	_ = 	snop  }
0x7: {  	_ = 	snop  }
__scs_overlays_trampoline_lowered:
0x8: {  	[smem:$0x3FA7] =	sst s0  }
0x9: {  	[smem:$0x3FA8] =	sst s1  }
0xa: {  	[smem:$0x3FA9] =	sst s2  }
0xb: {  	[smem:$0x3FAA] =	sst s3  }
0xc: {  	[smem:$0x3FAB] =	sst s4  }
0xd: {  	[smem:$0x3FAC] =	sst s5  }
0xe: {  	[smem:$0x3FAD] =	sst s6  }
0xf: {  	[smem:$0x3FAE] =	sst s7  }
0x10: {  	[smem:$0x3FAF] =	sst s8  }
0x11: {  	[smem:$0x3FB0] =	sst s9;
	s0 =	simm.s32 @!p0 $0x0  }
0x12: {  	s1 =	sld [smem:$0x3F96];
	s0 =	simm.s32 @p0 $0x1  }
0x13: {  	[smem:$0x3FB1] =	sst s0;
	s0 =	simm.s32 @!p1 $0x0  }
0x14: {  	s2 =	sld [smem:$0x3F95];
	s0 =	simm.s32 @p1 $0x1  }
0x15: {  	[smem:$0x3FB2] =	sst s0;
	s0 =	simm.s32 @!p2 $0x0  }
0x16: {  	s3 =	sld [smem:$0x3FDB];
	s0 =	simm.s32 @p2 $0x1  }
0x17: {  	s4 =	simm.s32 $0x1BF5;
	[smem:$0x3FB4] =	sst s0  }
0x18: {  	s0 =	sld [smem:$0x3F97];
	_ =	swait.ge [sflag:s4], $0x0  }
0x19: {  	s7 =	sld [smem:$0x3F98]  }
0x1a: {  	s8 =	sadd.s32 $0xFFFFE003, lr  }
0x1b: {  	s9 =	sadd.s32 $0xFFFFFEF7, lr;
	s5 =	simm.s32 $0xFFFFFFFF;
	p2 =	slt.u32 s8, $0xFFFFF086  }
0x1c: {  	p1 =	slt.u32 s9, $0xF7A;
	s5 =	simm.s32 @!p2 $0x0  }
0x1d: {  	s5 =	simm.s32 @p1 $0x1;
	p0 =	seq.s32 s7, s2  }
0x1e: {  	s7 =	smul.u32 @!p0 $0xF7A, s2;
	p2 =	seq.s32 @!p0 s5, $0x0  }
0x1f: {  	s9 =	smul.u32 $0xF7A, s1;
	s8 =	simm.s32 @!p0 $0x1BF5;
	p2 =	por !p2, p0  }
0x20: {  	[sflag:s8] =	ssyncset.s32 @!p0 $0xFFFFF086;
	s6 =	sadd.s32 @!p0 s3, s7;
	s7 =	simm.s32 @!p0 $0x108  }
0x21: {  	s3 =	sadd.s32 s3, s9;
	s6 =	sadd.s32 @!p0 $0x88, s6;
	s7 =	simm.s32 @p2 $0x1082  }
0x22: {  	[simem:s7], [sflag:s8] =	dma.local @!p0 [hbm:s6], $0xF7A  }
0x23: {  	s9 =	sor.u32 $0xD0000000, s2;
	s6 =	simm.s32 $0x108;
	_ =	swait.ge @!p0 [sflag:s8], $0x0  }
0x24: {  	s3 =	sadd.s32 $0x88, s3;
	s6 =	simm.s32 @!p1 $0x1082;
	[sflag:s4] =	ssyncset.s32 $0xFFFFF086  }
0x25: {  	[simem:s6], [sflag:s4] =	dma.local [hbm:s3], $0xF7A  }
0x26: {  	[smem:$0x3F98] =	sst s1;
	(tag) =	ssettag s2;
	_ =	strace s9  }
0x27: {  	s1 =	sld [smem:$0x3FA8]  }
0x28: {  	s2 =	sld [smem:$0x3FA9]  }
0x29: {  	s4 =	sld [smem:$0x3FAB]  }
0x2a: {  	p0 =	seq.s32 s5, $0x0;
	s5 =	sld [smem:$0x3FAC]  }
0x2b: {  	s6 =	sld [smem:$0x3FAD]  }
0x2c: {  	s7 =	sld [smem:$0x3FAE]  }
0x2d: {  	s3 =	simm.s32 $0x108;
	s8 =	sld [smem:$0x3FAF]  }
0x2e: {  	s3 =	simm.s32 @!p0 $0x1082;
	s9 =	sld [smem:$0x3FB0]  }
0x2f: {  	lr =	sadd.s32 s0, s3;
	s0 =	sld [smem:$0x3FA7]  }
0x30: {  	s3 =	sld [smem:$0x3FAA]  }
0x31: {  	[smem:$0x3FB3] =	sst s10  }
0x32: {  	s10 =	sld [smem:$0x3FB1];
	_ =	sdelay $0x3  }
0x33: {  	p0 =	seq.s32 s10, $0x1;
	s10 =	sld [smem:$0x3FB3];
	_ =	sdelay $0x3  }
0x34: {  	[smem:$0x3FB3] =	sst s10  }
0x35: {  	s10 =	sld [smem:$0x3FB2];
	_ =	sdelay $0x3  }
0x36: {  	p1 =	seq.s32 s10, $0x1;
	s10 =	sld [smem:$0x3FB3];
	_ =	sdelay $0x3  }
0x37: {  	[smem:$0x3FB3] =	sst s10  }
0x38: {  	s10 =	sld [smem:$0x3FB4]  }
0x39: {  	_ = 	snop;
	(pc) =	sbr.ind lr, $3  }
0x3a: {  	_ = 	snop  }
0x3b: {  	_ = 	snop  }
0x3c: {  	p2 =	seq.s32 s10, $0x1;
	s10 =	sld [smem:$0x3FB3]  }
0x3d: {  	_ =	shalt  }
0x3e: {  	_ =	shalt  }
0x3f: {  	_ =	shalt  }
0x40: {  	_ =	shalt  }
0x41: {  	_ =	shalt  }
0x42: {  	_ =	shalt  }
0x43: {  	_ =	shalt  }
0x44: {  	_ =	shalt  }
0x45: {  	_ =	shalt  }
0x46: {  	_ =	shalt  }
0x47: {  	_ =	shalt  }
0x48: {  	_ =	shalt  }
0x49: {  	_ =	shalt  }
0x4a: {  	_ =	shalt  }
0x4b: {  	_ =	shalt  }
0x4c: {  	_ =	shalt  }
0x4d: {  	_ =	shalt  }
0x4e: {  	_ =	shalt  }
0x4f: {  	_ =	shalt  }
0x50: {  	_ =	shalt  }
0x51: {  	_ =	shalt  }
0x52: {  	_ =	shalt  }
0x53: {  	_ =	shalt  }
0x54: {  	_ =	shalt  }
0x55: {  	_ =	shalt  }
0x56: {  	_ =	shalt  }
0x57: {  	_ =	shalt  }
0x58: {  	_ =	shalt  }
0x59: {  	_ =	shalt  }
0x5a: {  	_ =	shalt  }
0x5b: {  	_ =	shalt  }
0x5c: {  	_ =	shalt  }
0x5d: {  	_ =	shalt  }
0x5e: {  	_ =	shalt  }
0x5f: {  	_ =	shalt  }
0x60: {  	_ =	shalt  }
0x61: {  	_ =	shalt  }
0x62: {  	_ =	shalt  }
0x63: {  	_ =	shalt  }
0x64: {  	_ =	shalt  }
0x65: {  	_ =	shalt  }
0x66: {  	_ =	shalt  }
0x67: {  	_ =	shalt  }
0x68: {  	_ =	shalt  }
0x69: {  	_ =	shalt  }
0x6a: {  	_ =	shalt  }
0x6b: {  	_ =	shalt  }
0x6c: {  	_ =	shalt  }
0x6d: {  	_ =	shalt  }
0x6e: {  	_ =	shalt  }
0x6f: {  	_ =	shalt  }
0x70: {  	_ =	shalt  }
0x71: {  	_ =	shalt  }
0x72: {  	_ =	shalt  }
0x73: {  	_ =	shalt  }
0x74: {  	_ =	shalt  }
0x75: {  	_ =	shalt  }
0x76: {  	_ =	shalt  }
0x77: {  	_ =	shalt  }
0x78: {  	_ =	shalt  }
0x79: {  	_ =	shalt  }
0x7a: {  	_ =	shalt  }
0x7b: {  	_ =	shalt  }
0x7c: {  	_ =	shalt  }
0x7d: {  	_ =	shalt  }
0x7e: {  	_ =	shalt  }
0x7f: {  	_ =	shalt  }
0x80: {  	_ =	shalt  }
0x81: {  	_ =	shalt  }
0x82: {  	_ =	shalt  }
0x83: {  	_ =	shalt  }
0x84: {  	_ =	shalt  }
0x85: {  	_ =	shalt  }
0x86: {  	_ =	shalt  }
0x87: {  	_ =	shalt  }
.Lfunc_end0:
.L_simem_size_0:
called_computation.1_lowered:
.L_overlay_start_0:
0x88: {  	s2 =	sld [smem:$0x3FD9]  }
0x89: {  	s3 =	sld [smem:$0x3FFE];
	_ =	sdelay $0x1  }
0x8a: {  	s1 =	srdreg.scid  }
0x8b: {  	s0 =	sand.u32 $0x1, s1  }
0x8c: {  	s14 =	sshll.u32 s0, $0xA;
	s2 =	sadd.s32 s3, s2  }
0x8d: {  	s2 =	sadd.s32 s2, s14  }
0x8e: {  	[smem:$0x3FBF] =	sst s2  }
0x8f: {  	_ = 	snop  }
0x90: {  	s2 =	sld [smem:$0x3FD0];
	_ =	sdelay $0x2  }
0x91: {  	s15 =	simm.s32 $0xA;
	s4 =	simm.s32 $0x10  }
0x92: {  	[smem:s4], [sflag:s15] =	dma.local [hbm:s2], $0x1  }
0x93: {  	_ =	swait.eq [sflag:s15], $0x1  }
0x94: {  	[sflag:s15] =	ssyncset.done $0x0  }
0x95: {  	[sflag:s15] =	ssyncadd.s32 $0xFFFFFFFF  }
0x96: {  	s16 =	sld [smem:$0x10];
	(tm) =	ssettm $0x1  }
0x97: {  	s17 =	sld [smem:$0x3FFB];
	_ =	sdelay $0x3  }
0x98: {  	_ =	strace s17  }
0x99: {  	s3 =	sld [smem:$0x3FFC];
	_ =	sdelay $0x3  }
0x9a: {  	_ =	strace s3  }
0x9b: {  	s3 =	sld [smem:$0x3FFD];
	_ =	sdelay $0x3  }
0x9c: {  	_ =	strace s3  }
0x9d: {  	_ =	strace $0x8FFFFFFF  }
0x9e: {  	s18 =	sld [smem:$0x3FDB];
	_ =	sdelay $0x1  }
0x9f: {  	s19 =	simm.s32 $_scs_section_size  }
0xa0: {  	s5 =	simm.s32 $_size__tile_overlayer_lowered;
	s6 =	simm.s32 $_tile_overlayer_lowered  }
0xa1: {  	s22 =	simm.s32 $0x1BFF;
	s21 =	sshll.u32 s6, $0x1;
	s3 =	sadd.s32 s19, s18  }
0xa2: {  	s7 =	simm.s32 $0x0;
	s20 =	sshll.u32 s5, $0x1;
	s5 =	sadd.s32 s21, s3  }
0xa3: {  	[timem:s7], [sflag:s22] =	dma.local [hbm:s5], s20  }
0xa4: {  	_ =	swait.ge [sflag:s22], s20  }
0xa5: {  	s4 =	ssub.s32 $0x0, s20;
	[sflag:s22] =	ssyncset.done $0x0  }
0xa6: {  	[sflag:s22] =	ssyncadd.s32 s4;
	_ =	sdelay $0x1  }
0xa7: {  	s23 =	simm.s32 $0x1B8B  }
0xa8: {  	_ =	swait.ge [sflag:s23], $0x1  }
0xa9: {  	[sflag:s23] =	ssyncset.done $0x0  }
0xaa: {  	s25 =	simm.s32 $0x1B8E;
	s24 =	sld [smem:$0x3FFE];
	[sflag:s23] =	ssyncadd.s32 $0xFFFFFFFF  }
0xab: {  	s26 =	simm.s32 $execute0_lowered;
	[smem:$0x3FD2] =	sst s25  }
0xac: {  	s5 =	sshll.u32 s26, $0x1;
	_ =	strace $0x80000049;
	[dreg:$0x1] =	wrdreg $0xFFFFFFFF  }
0xad: {  	s28 =	simm.s32 $_size_execute0_lowered;
	s3 =	sadd.s32 s3, s5;
	[dreg:$0x0] =	wrdreg $0x0  }
0xae: {  	s5 =	sshll.u32 s28, $0x1;
	[dreg:$0x2] =	wrdreg s3  }
0xaf: {  	[dreg:$0x3] =	wrdreg s5  }
0xb0: {  	[dreg:$0x4] =	wrdreg $0xC0  }
0xb1: {  	_ =	task [dreg:s7], $0x5FFFF  }
0xb2: {  	[dreg:$0x1] =	wrdreg $0xFFFFFFFF  }
0xb3: {  	[dreg:$0x0] =	wrdreg $0x60  }
0xb4: {  	[dreg:$0x2] =	wrdreg s24  }
0xb5: {  	[dreg:$0x3] =	wrdreg s16  }
0xb6: {  	[dreg:$0x4] =	wrdreg $0x9  }
0xb7: {  	_ =	task.clear_ibuf [dreg:s7], $0x5FFFF;
	_ =	strace $0x90000049  }
0xb8: {  	s29 =	simm.s32 $0x9;
	_ =	strace $0x8000004B  }
0xb9: {  	_ =	swait.ge [sflag:s29], $0x1  }
0xba: {  	[sflag:s29] =	ssyncadd.s32 $0xFFFFFFFF  }
0xbb: {  	_ =	strace $0x9000004B  }
0xbc: {  	_ =	sfence  }
0xbd: {  	s30 =	sld [smem:$0x0];
	_ =	sdelay $0x2  }
0xbe: {  	s31 =	sshll.u32 s1, $0xD;
	s1 =	sshrl.u32 s1, $0x2  }
0xbf: {  	s3 =	sand.u32 $0x4000, s31;
	s1 =	sadd.s32 s1, s30  }
0xc0: {  	s0 =	sor.u32 s3, s0;
	s1 =	sshll.u32 s1, $0x11  }
0xc1: {  	s0 =	sor.u32 s1, s0  }
0xc2: {  	s0 =	sadd.s32 $0x8F2B, s0  }
0xc3: {  	[sflag:s0] =	ssyncadd.remote.s32 $0x1  }
0xc4: {  	_ =	sfence.sel $0xFFFF  }
0xc5: {  	[dreg:$0x0] =	wrdreg $0xFFFFFFFF;
	(pc) =	sbr.abs _section_cstart, $3  }
0xc6: {  	[dreg:$0x1] =	wrdreg $0xFFFFFFFF  }
0xc7: {  	_ =	task.clear_ibuf [dreg:s7], $0x2FFFF;
	_ =	strace $0x9FFFFFFF  }
0xc8: {  	(tm) =	ssettm $0x7FFFFFFF  }
0xc9: {  	_ =	shalt  }
tec
execute0_lowered:
.L_overlay_start_1:
0x0: {  	(tag) =	ssettag $0x1  }
0x1: {  	s0 =	rddreg [dreg:$0x0]  }
0x2: {  	s5 =	rddreg [dreg:$0x1];
	s2 =	simm.s32 $0x0;
	s3 =	srdreg.scid  }
0x3: {  	s1 =	stileid.u32;
	s23 =	simm.s32 $0x80;
	s24 =	simm.s32 $0x900  }
0x4: {  	s25 =	simm.s32 $0x1100;
	s26 =	simm.s32 $0x1900;
	s10 =	simm.s32 $0x2900  }
0x5: {  	s11 =	simm.s32 $0x3100;
	s12 =	simm.s32 $0x3900;
	s13 =	simm.s32 $0x4100  }
0x6: {  	s14 =	simm.s32 $0x4900;
	s15 =	simm.s32 $0x5100;
	s16 =	simm.s32 $0x5900  }
0x7: {  	s17 =	simm.s32 $0x1;
	s18 =	simm.s32 $0x6100;
	s19 =	simm.s32 $0x6900  }
0x8: {  	s20 =	simm.s32 $0x7100;
	s28 =	simm.s32 $0xA900;
	s29 =	simm.s32 $0xB100  }
0x9: {  	s30 =	simm.s32 $0xB900;
	s31 =	simm.s32 $0x2;
	[smem:$0x7FF] =	sst s2  }
0xa: {  	s3 =	sand.u32 $0x1, s3;
	_ =	strace $0x8000004A;
	[dreg:$0x7] =	wrdreg s23  }
0xb: {  	s6 =	sshll.u32 s1, $0x4;
	s4 =	ssub.s32 $0x2, s3;
	[dreg:$0x8] =	wrdreg s24  }
0xc: {  	s7 =	sshll.u32 s3, $0x3;
	s3 =	sadd.s32 $0xFC200, s0;
	[dreg:$0x9] =	wrdreg s25  }
0xd: {  	[dreg:$0xa] =	wrdreg s26;
	s23 =	simm.s32 $0x8900;
	s24 =	simm.s32 $0x9100  }
0xe: {  	s25 =	simm.s32 $0x9900;
	s26 =	simm.s32 $0xA100;
	s6 =	sor.u32 s7, s6  }
0xf: {  	s8 =	sshrl.u32 s4, $0x1;
	s7 =	sadd.s32 s0, s6;
	s9 =	sor.u32 $0x4, s6  }
0x10: {  	s6 =	smul.u32 $0x300, s6;
	s8 =	ssub.s32 s4, s8;
	s4 =	sadd.s32 $0xFC300, s0  }
0x11: {  	[dreg:$0x3] =	wrdreg s7;
	s21 =	sadd.s32 s0, s9;
	s9 =	smul.u32 $0x300, s9  }
0x12: {  	s7 =	simm.s32 $0x4;
	[dreg:$0x4] =	wrdreg s21;
	s6 =	sadd.s32 s5, s6  }
0x13: {  	v2 =	vlaneseq.u32;
	s21 =	simm.s32 $0x7900;
	[dreg:$0x5] =	wrdreg s6;
	s22 =	sadd.s32 s5, s9  }
0x14: {  	vm0 =	vmmov $0xffff;
	v1 =	vshrl.u32 v2, $0x3;
	s5 =	sadd.s32 $0xFC400, s0;
	s6 =	smax.u32 s8, $0x1;
	s8 =	simm.s32 $0x100  }
0x15: {  	v0 =	vand.u32 $0x7, v2;
	v2 =	vor.u32 $0x8, v2;
	v1 =	vmul.u32 $0x8, v1;
	s0 =	simm.s32 $0x3;
	[dreg:$0x6] =	wrdreg s22;
	s22 =	simm.s32 $0x8100  }
.LBB2_1:
0x16: {  	s1 =	rddreg [dreg:$0x3]  }
0x17: {  	[tilespmem:s2], [sflag:$0x4] =	stream.linear.gather [hbm4b:s1+s2], $0x20, $0x38;
	[tilespmem:$0xC100] =	vst v63  }
0x18: {  	_ =	swait.ge [sflag:s7], $0x20  }
0x19: {  	s1 =	rddreg [dreg:$0x4];
	[sflag:s7] =	ssyncset.done $0x0  }
0x1a: {  	s9 =	rddreg [dreg:$0x7];
	[sflag:s7] =	ssyncadd.s32 $0xFFFFFFE0  }
0x1b: {  	[tilespmem:s9], [sflag:$0x4] =	stream.linear.gather [hbm4b:s1+s2], $0x20, $0x38;
	[tilespmem:$0xC100] =	vst v63  }
0x1c: {  	_ =	swait.ge [sflag:s7], $0x20  }
0x1d: {  	[sflag:s7] =	ssyncset.done $0x0  }
0x1e: {  	[sflag:s7] =	ssyncadd.s32 $0xFFFFFFE0  }
0x1f: {  	v3 =	vld [tilespmem:$0x0];
	_ =	sdelay $0x4  }
0x20: {  	v4 =	vshrl.u32 v3, $0x3  }
0x21: {  	v4 =	vmul.u32 $0x30, v4  }
0x22: {  	v3 =	vand.u32 $0x7, v3  }
0x23: {  	v3 =	vor.u32 v3, v4  }
0x24: {  	v4 =	vperm.xlane v3, v0;
	_ =	sdelay $0x1  }
0x25: {  	v4 =	vadd.s32 v1, v4;
	_ =	sdelay $0x3  }
0x26: {  	v3 =	vperm.xlane v3, v2  }
0x27: {  	[tilespmem:s8], [sflag:$0x1] =	stream.indirect_vreg.gather [hbm4b:s3+s2], $0x80, v4, vm0, $0xb8;
	[tilespmem:$0xC100] =	vst v63  }
0x28: {  	s1 =	rddreg [dreg:$0x8];
	v3 =	vadd.s32 v1, v3  }
0x29: {  	[tilespmem:s1], [sflag:$0x1] =	stream.indirect_vreg.gather [hbm4b:s4+s2], $0x80, v4, vm0, $0xb8;
	[tilespmem:$0xC100] =	vst v63  }
0x2a: {  	s9 =	rddreg [dreg:$0x9]  }
0x2b: {  	[tilespmem:s9], [sflag:$0x1] =	stream.indirect_vreg.gather [hbm4b:s5+s2], $0x80, v4, vm0, $0xb8;
	[tilespmem:$0xC100] =	vst v63  }
0x2c: {  	s1 =	rddreg [dreg:$0xa]  }
0x2d: {  	[tilespmem:s1], [sflag:$0x1] =	stream.indirect_vreg.gather [hbm4b:s3+s2], $0x80, v3, vm0, $0xb8;
	[tilespmem:$0xC100] =	vst v63  }
0x2e: {  	s9 =	simm.s32 $0x2100  }
0x2f: {  	[tilespmem:s9], [sflag:$0x1] =	stream.indirect_vreg.gather [hbm4b:s4+s2], $0x80, v3, vm0, $0xb8;
	[tilespmem:$0xC100] =	vst v63  }
0x30: {  	_ = 	snop  }
0x31: {  	[tilespmem:s10], [sflag:$0x1] =	stream.indirect_vreg.gather [hbm4b:s5+s2], $0x80, v3, vm0, $0xb8;
	[tilespmem:$0xC100] =	vst v63  }
0x32: {  	v3 =	vld [tilespmem:$0x10];
	_ =	sdelay $0x4  }
0x33: {  	v61 =	vshrl.u32 v3, $0x3  }
0x34: {  	v4 =	vmul.u32 $0x30, v61  }
0x35: {  	v3 =	vand.u32 $0x7, v3  }
0x36: {  	v3 =	vor.u32 v3, v4  }
0x37: {  	v4 =	vperm.xlane v3, v0;
	_ =	sdelay $0x1  }
0x38: {  	v4 =	vadd.s32 v1, v4;
	_ =	sdelay $0x3  }
0x39: {  	v3 =	vperm.xlane v3, v2  }
0x3a: {  	[tilespmem:s11], [sflag:$0x1] =	stream.indirect_vreg.gather [hbm4b:s3+s2], $0x80, v4, vm0, $0xb8;
	[tilespmem:$0xC100] =	vst v63  }
0x3b: {  	v3 =	vadd.s32 v1, v3  }
0x3c: {  	[tilespmem:s12], [sflag:$0x1] =	stream.indirect_vreg.gather [hbm4b:s4+s2], $0x80, v4, vm0, $0xb8;
	[tilespmem:$0xC100] =	vst v63  }
0x3d: {  	_ = 	snop  }
0x3e: {  	[tilespmem:s13], [sflag:$0x1] =	stream.indirect_vreg.gather [hbm4b:s5+s2], $0x80, v4, vm0, $0xb8;
	[tilespmem:$0xC100] =	vst v63  }
0x3f: {  	_ = 	snop  }
0x40: {  	[tilespmem:s14], [sflag:$0x1] =	stream.indirect_vreg.gather [hbm4b:s3+s2], $0x80, v3, vm0, $0xb8;
	[tilespmem:$0xC100] =	vst v63  }
0x41: {  	_ = 	snop  }
0x42: {  	[tilespmem:s15], [sflag:$0x1] =	stream.indirect_vreg.gather [hbm4b:s4+s2], $0x80, v3, vm0, $0xb8;
	[tilespmem:$0xC100] =	vst v63  }
0x43: {  	_ = 	snop  }
0x44: {  	[tilespmem:s16], [sflag:$0x1] =	stream.indirect_vreg.gather [hbm4b:s5+s2], $0x80, v3, vm0, $0xb8;
	[tilespmem:$0xC100] =	vst v63  }
0x45: {  	_ =	swait.ge [sflag:s17], $0x6000  }
0x46: {  	[sflag:s17] =	ssyncset.done $0x0  }
0x47: {  	s9 =	rddreg [dreg:$0x5];
	[sflag:s17] =	ssyncadd.s32 $0xFFFFA000  }
0x48: {  	[hbm4b:s9+s2] =	stream.linear.scatter [tilespmem:s8], [sflag:$0x2], $0x6000, $0x38;
	[tilespmem:$0xC100] =	vst v63  }
0x49: {  	v3 =	vld [tilespmem:$0x80];
	_ =	sdelay $0x4  }
0x4a: {  	v62 =	vshrl.u32 v3, $0x3  }
0x4b: {  	v4 =	vmul.u32 $0x30, v62  }
0x4c: {  	v3 =	vand.u32 $0x7, v3  }
0x4d: {  	v3 =	vor.u32 v3, v4  }
0x4e: {  	v4 =	vperm.xlane v3, v0;
	_ =	sdelay $0x1  }
0x4f: {  	v4 =	vadd.s32 v1, v4;
	_ =	sdelay $0x3  }
0x50: {  	v3 =	vperm.xlane v3, v2  }
0x51: {  	[tilespmem:s18], [sflag:$0x1] =	stream.indirect_vreg.gather [hbm4b:s3+s2], $0x80, v4, vm0, $0xb8;
	[tilespmem:$0xC100] =	vst v63  }
0x52: {  	v3 =	vadd.s32 v1, v3  }
0x53: {  	[tilespmem:s19], [sflag:$0x1] =	stream.indirect_vreg.gather [hbm4b:s4+s2], $0x80, v4, vm0, $0xb8;
	[tilespmem:$0xC100] =	vst v63  }
0x54: {  	_ = 	snop  }
0x55: {  	[tilespmem:s20], [sflag:$0x1] =	stream.indirect_vreg.gather [hbm4b:s5+s2], $0x80, v4, vm0, $0xb8;
	[tilespmem:$0xC100] =	vst v63  }
0x56: {  	_ = 	snop  }
0x57: {  	[tilespmem:s21], [sflag:$0x1] =	stream.indirect_vreg.gather [hbm4b:s3+s2], $0x80, v3, vm0, $0xb8;
	[tilespmem:$0xC100] =	vst v63  }
0x58: {  	_ = 	snop  }
0x59: {  	[tilespmem:s22], [sflag:$0x1] =	stream.indirect_vreg.gather [hbm4b:s4+s2], $0x80, v3, vm0, $0xb8;
	[tilespmem:$0xC100] =	vst v63  }
0x5a: {  	_ = 	snop  }
0x5b: {  	[tilespmem:s23], [sflag:$0x1] =	stream.indirect_vreg.gather [hbm4b:s5+s2], $0x80, v3, vm0, $0xb8;
	[tilespmem:$0xC100] =	vst v63  }
0x5c: {  	v3 =	vld [tilespmem:$0x90];
	_ =	sdelay $0x4  }
0x5d: {  	v63 =	vshrl.u32 v3, $0x3  }
0x5e: {  	v4 =	vmul.u32 $0x30, v63  }
0x5f: {  	v3 =	vand.u32 $0x7, v3  }
0x60: {  	v3 =	vor.u32 v3, v4  }
0x61: {  	v4 =	vperm.xlane v3, v0;
	_ =	sdelay $0x1  }
0x62: {  	v4 =	vadd.s32 v1, v4;
	_ =	sdelay $0x3  }
0x63: {  	v3 =	vperm.xlane v3, v2  }
0x64: {  	[tilespmem:s24], [sflag:$0x1] =	stream.indirect_vreg.gather [hbm4b:s3+s2], $0x80, v4, vm0, $0xb8;
	[tilespmem:$0xC100] =	vst v63  }
0x65: {  	v3 =	vadd.s32 v1, v3  }
0x66: {  	[tilespmem:s25], [sflag:$0x1] =	stream.indirect_vreg.gather [hbm4b:s4+s2], $0x80, v4, vm0, $0xb8;
	[tilespmem:$0xC100] =	vst v63  }
0x67: {  	_ = 	snop  }
0x68: {  	[tilespmem:s26], [sflag:$0x1] =	stream.indirect_vreg.gather [hbm4b:s5+s2], $0x80, v4, vm0, $0xb8;
	[tilespmem:$0xC100] =	vst v63  }
0x69: {  	_ = 	snop  }
0x6a: {  	[tilespmem:s28], [sflag:$0x1] =	stream.indirect_vreg.gather [hbm4b:s3+s2], $0x80, v3, vm0, $0xb8;
	[tilespmem:$0xC100] =	vst v63  }
0x6b: {  	_ = 	snop  }
0x6c: {  	[tilespmem:s29], [sflag:$0x1] =	stream.indirect_vreg.gather [hbm4b:s4+s2], $0x80, v3, vm0, $0xb8;
	[tilespmem:$0xC100] =	vst v63  }
0x6d: {  	_ = 	snop  }
0x6e: {  	[tilespmem:s30], [sflag:$0x1] =	stream.indirect_vreg.gather [hbm4b:s5+s2], $0x80, v3, vm0, $0xb8;
	[tilespmem:$0xC100] =	vst v63  }
0x6f: {  	_ =	swait.ge [sflag:s17], $0x6000  }
0x70: {  	[sflag:s17] =	ssyncset.done $0x0  }
0x71: {  	s9 =	rddreg [dreg:$0x6];
	[sflag:s17] =	ssyncadd.s32 $0xFFFFA000  }
0x72: {  	[hbm4b:s9+s2] =	stream.linear.scatter [tilespmem:s18], [sflag:$0x3], $0x6000, $0x38;
	[tilespmem:$0xC100] =	vst v63  }
0x73: {  	p0 =	sne.s32 s6, $0x1;
	_ =	swait.ge [sflag:s31], $0x6000  }
.Ltmp0:
0x74: {  	[sflag:s31] =	ssyncset.done $0x0;
	(pc) =	sbr.rel @p0 .LBB2_1-.Ltmp0, $4  }
0x75: {  	[sflag:s31] =	ssyncadd.s32 $0xFFFFA000  }
0x76: {  	_ =	swait.ge [sflag:s0], $0x6000  }
0x77: {  	[sflag:s0] =	ssyncset.done $0x0  }
0x78: {  	s6 =	sadd.s32 $0xFFFFFFFF, s6;
	[sflag:s0] =	ssyncadd.s32 $0xFFFFA000  }
0x79: {  	_ =	sfence.sel $0x180000  }
0x7a: {  	[bflag:$0x0] =	sbarrier.arrive $0xFFFF  }
0x7b: {  	_ =	strace $0x9000004A  }
0x7c: {  	s0 =	stileid.u32;
	[bflag:$0x2] =	sbarrier.arrive $0xFFFF  }
0x7d: {  	p0 =	sne.s32 s0, $0x0;
	s0 =	rddreg [dreg:$0x2]  }
0x7e: {  	s0 =	sadd.s32 @!p0 $0x100000, s0  }
0x7f: {  	[sflag:s0] =	ssyncadd.tile.s32 @!p0 $0x1;
	_ =	shalt  }
.Lfunc_end2:
_tile_overlayer_lowered:
.L_overlay_start_2:
0x80: {  	(tag) =	ssettag $0x2  }
0x81: {  	s0 =	rddreg [dreg:$0x0];
	s2 =	stileid.u32  }
0x82: {  	s1 =	rddreg [dreg:$0x1];
	p0 =	sne.s32 s2, $0x0  }
0x83: {  	s3 =	rddreg [dreg:$0x2];
	[bflag:$0x3] =	sbarrier.arrive $0xFFFF;
	s2 =	simm.s32 @!p0 $0x1C04  }
0x84: {  	[timem:s3], [sflag:s2] =	dma.local @!p0 [hbm:s0], s1  }
0x85: {  	s0 =	simm.s32 @!p0 $0x4  }
0x86: {  	_ =	swait.ge @!p0 [sflag:s0], s1  }
0x87: {  	s1 =	ssub.s32 @!p0 $0x0, s1;
	[sflag:s0] =	ssyncset.done @!p0 $0x0  }
0x88: {  	[sflag:s0] =	ssyncadd.s32 @!p0 s1  }
0x89: {  	[bflag:$0x3] =	sbarrier.arrive $0xFFFF  }
0x8a: {  	_ =	shalt  }

</sc_bundles>
